<compile_context>
chip_gen: v7x
topology: tpu7x:2x2x1
jax: 0.10.2.dev20260603
libtpu: 0.0.44.dev20260713+nightly
codegen_flags: <defaults>
</compile_context>

<pallas_src>
import numpy as np
import jax
import jax.numpy as jnp
from jax import lax
from jax.experimental import pallas as pl
from jax.experimental.pallas import tpu as pltpu
from jax.experimental.pallas import tpu_sc as plsc

VOCAB = 30522
D = 768
MAX_LEN = 512
NSEG = 3
B = 64
S = 512

NC = 2
NS = 16
NW = NC * NS
L = 16
SPW = S // NW
G = 1
GT = G * SPW
GN = B // G
NSLOT = 4
LOOKAHEAD = 2


def _positional_encoding_np(max_len, d):
    position = np.arange(max_len, dtype=np.float32)[:, None]
    div_term = np.exp(np.arange(0, d, 2, dtype=np.float32) * -(np.log(10000.0) / d))
    pe = np.zeros((max_len, d), dtype=np.float32)
    pe[:, 0::2] = np.sin(position * div_term)
    pe[:, 1::2] = np.cos(position * div_term)
    return pe


_PE = _positional_encoding_np(MAX_LEN, D)


def _bert_embed_body(x_hbm, lbl_hbm, tok_hbm, seg_hbm, pe_hbm, out_hbm,
                     idx_v, lbl_v, pe_v, seg_v, posseg_v, rows_v,
                     *sems):
    g_sems = sems[:NSLOT]
    o_sems = sems[NSLOT:NSLOT * 2]

    wid = lax.axis_index("s") * NC + lax.axis_index("c")
    s0 = wid * SPW

    def start_gather(p, slot):
        pltpu.async_copy(tok_hbm.at[idx_v.at[pl.ds(p * GT, GT)]],
                         rows_v.at[slot], g_sems[slot])

    def wait_gather(p, slot):
        pltpu.make_async_copy(tok_hbm.at[idx_v.at[pl.ds(p * GT, GT)]],
                              rows_v.at[slot], g_sems[slot]).wait()

    def start_out(p, slot):
        for g in range(G):
            pltpu.async_copy(rows_v.at[slot, pl.ds(g * SPW, SPW)],
                             out_hbm.at[G * p + g, pl.ds(s0, SPW), :],
                             o_sems[slot])

    def wait_out(p, slot):
        for g in range(G):
            pltpu.make_async_copy(rows_v.at[slot, pl.ds(g * SPW, SPW)],
                                  out_hbm.at[G * p + g, pl.ds(s0, SPW), :],
                                  o_sems[slot]).wait()


    pltpu.sync_copy(x_hbm.at[pl.ds(wid * (B * SPW), B * SPW)], idx_v)
    lbl_cp = pltpu.async_copy(lbl_hbm.at[pl.ds(wid * (B * SPW), B * SPW)],
                              lbl_v.at[pl.ds(0, B * SPW)], o_sems[0])
    seg_cp = pltpu.async_copy(seg_hbm, seg_v, o_sems[1])
    pe_cp = pltpu.async_copy(pe_hbm.at[pl.ds(s0, SPW), :], pe_v, o_sems[2])
    for i in range(LOOKAHEAD):
        start_gather(i, i)
    lbl_cp.wait()
    seg_cp.wait()
    pe_cp.wait()

    for lbl in range(NSEG):
        def _pp(j, _, lbl=lbl):
            row = lbl * SPW + j

            @plsc.parallel_loop(0, D, L, unroll=8)
            def _pk(c):
                sl = pl.ds(c, L)
                posseg_v[row, sl] = pe_v[j, sl] + seg_v[lbl, sl]
            return 0
        lax.fori_loop(0, SPW, _pp, 0)

    def compute(p, slot):
        def _j(j, _):
            lbl = lbl_v[pl.ds(p * GT + j, L)][0]
            row = lbl * SPW + (j & (SPW - 1))

            @plsc.parallel_loop(0, D, L, unroll=8)
            def _k(c):
                sl = pl.ds(c, L)
                plsc.addupdate(rows_v.at[slot, j, sl], posseg_v[row, sl])
            return 0
        lax.fori_loop(0, GT, _j, 0)

    def step(p, slot, do_wait_out, do_gather):
        gslot = (slot + LOOKAHEAD) % NSLOT
        if do_wait_out:
            wait_out(p - (NSLOT - LOOKAHEAD), gslot)
        if do_gather:
            start_gather(p + LOOKAHEAD, gslot)
        wait_gather(p, slot)
        compute(p, slot)
        start_out(p, slot)

    FRONT = NSLOT - LOOKAHEAD
    for p in range(FRONT):
        step(p, p % NSLOT, False, True)

    STEADY = ((GN - LOOKAHEAD - FRONT) // NSLOT) * NSLOT

    def pipe(t, _):
        p = NSLOT * t + FRONT
        for i in range(NSLOT):
            step(p + i, (FRONT + i) % NSLOT, True, True)
        return 0

    lax.fori_loop(0, STEADY // NSLOT, pipe, 0)

    for p in range(FRONT + STEADY, GN):
        step(p, p % NSLOT, True, p + LOOKAHEAD < GN)
    for p in range(GN - (NSLOT - LOOKAHEAD), GN):
        wait_out(p, p % NSLOT)


@jax.jit
def _bert_embed(x, segment_label, token_table, segment_table, pe):
    mesh = plsc.VectorSubcoreMesh(core_axis_name="c", subcore_axis_name="s",
                                  num_cores=NC, num_subcores=NS)
    scratch = [
        pltpu.VMEM((B * SPW,), jnp.int32),
        pltpu.VMEM((B * SPW + L,), jnp.int32),
        pltpu.VMEM((SPW, D), jnp.float32),
        pltpu.VMEM((8, D), jnp.float32),
        pltpu.VMEM((NSEG * SPW, D), jnp.float32),
        pltpu.VMEM((NSLOT, GT, D), jnp.float32),
    ] + [pltpu.SemaphoreType.DMA] * (2 * NSLOT)
    f = pl.kernel(
        _bert_embed_body,
        out_type=jax.ShapeDtypeStruct((B, S, D), jnp.float32),
        mesh=mesh,
        scratch_types=scratch,
    )

    def _worker_major(a):
        return a.reshape(B, NW, SPW).transpose(1, 0, 2).reshape(NW * B * SPW)

    seg_pad = jnp.zeros((8, D), jnp.float32).at[:NSEG].set(segment_table)
    return f(_worker_major(x), _worker_major(segment_label),
             token_table, seg_pad, pe)


def kernel(x, segment_label, token_table, segment_table):
    pe = jnp.asarray(_PE)
    return _bert_embed(x, segment_label, token_table, segment_table, pe)

# --- scband reference (transcript-rebuilt; emitter-appended) ---
"""Pipeline reference for scband-bertembedding-26336739459082 (READ-ONLY COPY).

The authoritative reference and input builder live on the scoring server;
editing this copy changes nothing except your own understanding.
"""

import jax, jax.numpy as jnp
import numpy as np

VOCAB = 30522
D = 768
MAX_LEN = 512
NSEG = 3
B = 64
S = 512


def _positional_encoding(max_len, d):
    # Sinusoidal positional embedding (BERT-pytorch PositionalEmbedding buffer)
    position = np.arange(max_len, dtype=np.float32)[:, None]
    div_term = np.exp(np.arange(0, d, 2, dtype=np.float32) * -(np.log(10000.0) / d))
    pe = np.zeros((max_len, d), dtype=np.float32)
    pe[:, 0::2] = np.sin(position * div_term)
    pe[:, 1::2] = np.cos(position * div_term)
    return jnp.asarray(pe)


def setup_inputs(seed: int = 0) -> dict:
    key = jax.random.key(seed)
    k1, k2, k3, k4 = jax.random.split(key, 4)
    x = jax.random.randint(k1, (B, S), 0, VOCAB, dtype=jnp.int32)
    segment_label = jax.random.randint(k2, (B, S), 0, NSEG, dtype=jnp.int32)
    # nn.Embedding weights (padding_idx=0 rows zeroed, per BERT-pytorch)
    token_table = jax.random.normal(k3, (VOCAB, D), dtype=jnp.float32) * 0.02
    token_table = token_table.at[0].set(0.0)
    segment_table = jax.random.normal(k4, (NSEG, D), dtype=jnp.float32) * 0.02
    segment_table = segment_table.at[0].set(0.0)
    return {"x": x, "segment_label": segment_label, "token_table": token_table, "segment_table": segment_table}


def reference(x, segment_label, token_table, segment_table):
    pe = _positional_encoding(MAX_LEN, D)
    seq_len = x.shape[1]
    tok = jnp.take(token_table, x, axis=0)          # [B, S, D] gather
    seg = jnp.take(segment_table, segment_label, axis=0)  # [B, S, D] gather
    pos = pe[None, :seq_len, :]                      # [1, S, D] broadcast buffer
    return tok + pos + seg

if __name__ == "__main__":
    import jax
    _d = setup_inputs()
    print(jax.jit(kernel)(*tuple(_d.values())))

</pallas_src>

<mosaic_0001>
#map = affine_map<(d0, d1) -> (0)>
#map1 = affine_map<(d0, d1) -> (0, 0)>
#map2 = affine_map<(d0, d1) -> (0, 0, 0)>
module attributes {stable_mosaic.version = 14 : i64} {
  func.func @_bert_embed_body(%arg0: i32, %arg1: i32, %arg2: memref<32768xi32, #tpu.memory_space<hbm>>, %arg3: memref<32768xi32, #tpu.memory_space<hbm>>, %arg4: memref<30522x768xf32, #tpu.memory_space<hbm>>, %arg5: memref<8x768xf32, #tpu.memory_space<hbm>>, %arg6: memref<512x768xf32, #tpu.memory_space<hbm>>, %arg7: memref<64x512x768xf32, #tpu.memory_space<hbm>>, %arg8: memref<1024xi32, #tpu.memory_space<vmem>>, %arg9: memref<1040xi32, #tpu.memory_space<vmem>>, %arg10: memref<16x768xf32, #tpu.memory_space<vmem>>, %arg11: memref<8x768xf32, #tpu.memory_space<vmem>>, %arg12: memref<48x768xf32, #tpu.memory_space<vmem>>, %arg13: memref<4x16x768xf32, #tpu.memory_space<vmem>>, %arg14: memref<!tpu.dma_semaphore, #tpu.memory_space<semaphore_mem>>, %arg15: memref<!tpu.dma_semaphore, #tpu.memory_space<semaphore_mem>>, %arg16: memref<!tpu.dma_semaphore, #tpu.memory_space<semaphore_mem>>, %arg17: memref<!tpu.dma_semaphore, #tpu.memory_space<semaphore_mem>>, %arg18: memref<!tpu.dma_semaphore, #tpu.memory_space<semaphore_mem>>, %arg19: memref<!tpu.dma_semaphore, #tpu.memory_space<semaphore_mem>>, %arg20: memref<!tpu.dma_semaphore, #tpu.memory_space<semaphore_mem>>, %arg21: memref<!tpu.dma_semaphore, #tpu.memory_space<semaphore_mem>>) attributes {dimension_semantics = [#tpu.dimension_semantics<core_parallel>, #tpu.dimension_semantics<subcore_parallel>], iteration_bounds = array<i64: 2, 16>, scalar_prefetch = 0 : i64, scratch_operands = 14 : i64, tpu.core_type = #tpu.core_type<sc_vector_subcore>, window_params = [{transform_indices = #map}, {transform_indices = #map}, {transform_indices = #map1}, {transform_indices = #map1}, {transform_indices = #map1}, {transform_indices = #map2}]} {
    %mul3A = arith.constant 2 : i32
    %mul3A_0 = arith.muli %arg1, %mul3A : i32
    %add3A = arith.addi %mul3A_0, %arg0 : i32
    %mul3A_1 = arith.constant 16 : i32
    %mul3A_2 = arith.muli %add3A, %mul3A_1 : i32
    %mul3A_3 = arith.constant 1024 : i32
    %mul3A_4 = arith.muli %add3A, %mul3A_3 : i32
    "tpu.region"() ({
      %run_scoped3A = tpu.sem_alloc : memref<!tpu.dma_semaphore, #tpu.memory_space<semaphore_mem>>
      %dma_start3A_288 = tpu.memref_slice %arg2[%mul3A_4] : memref<32768xi32, #tpu.memory_space<hbm>> -> memref<1024xi32, #tpu.memory_space<hbm>>
      %dma_start3A_289 = tpu.memref_slice %arg2[%mul3A_4] : memref<32768xi32, #tpu.memory_space<hbm>> -> memref<1024xi32, #tpu.memory_space<hbm>>
      tpu.enqueue_dma source(%dma_start3A_289 : memref<1024xi32, #tpu.memory_space<hbm>>) target(%arg8 : memref<1024xi32, #tpu.memory_space<vmem>>) target_semaphore(%run_scoped3A : memref<!tpu.dma_semaphore, #tpu.memory_space<semaphore_mem>>)
      %dma_wait3A_290 = tpu.memref_slice %arg2[%mul3A_4] : memref<32768xi32, #tpu.memory_space<hbm>> -> memref<1024xi32, #tpu.memory_space<hbm>>
      %dma_wait3A_291 = tpu.memref_slice %arg2[%mul3A_4] : memref<32768xi32, #tpu.memory_space<hbm>> -> memref<1024xi32, #tpu.memory_space<hbm>>
      tpu.wait_dma2 semaphore(%run_scoped3A : memref<!tpu.dma_semaphore, #tpu.memory_space<semaphore_mem>>) src(%dma_wait3A_291 : memref<1024xi32, #tpu.memory_space<hbm>>) dst(%arg8 : memref<1024xi32, #tpu.memory_space<vmem>>)
      tpu.yield
    }) : () -> ()
    %mul3A_5 = arith.constant 1024 : i32
    %mul3A_6 = arith.muli %add3A, %mul3A_5 : i32
    %dma_start3A = arith.constant 0 : i32
    %dma_start3A_7 = tpu.memref_slice %arg9[%dma_start3A] : memref<1040xi32, #tpu.memory_space<vmem>> -> memref<1024xi32, #tpu.memory_space<vmem>>
    %dma_start3A_8 = tpu.memref_slice %arg3[%mul3A_6] : memref<32768xi32, #tpu.memory_space<hbm>> -> memref<1024xi32, #tpu.memory_space<hbm>>
    %dma_start3A_9 = arith.constant 0 : i32
    %dma_start3A_10 = tpu.memref_slice %arg9[%dma_start3A_9] : memref<1040xi32, #tpu.memory_space<vmem>> -> memref<1024xi32, #tpu.memory_space<vmem>>
    %dma_start3A_11 = tpu.memref_slice %arg3[%mul3A_6] : memref<32768xi32, #tpu.memory_space<hbm>> -> memref<1024xi32, #tpu.memory_space<hbm>>
    tpu.enqueue_dma source(%dma_start3A_11 : memref<1024xi32, #tpu.memory_space<hbm>>) target(%dma_start3A_10 : memref<1024xi32, #tpu.memory_space<vmem>>) target_semaphore(%arg18 : memref<!tpu.dma_semaphore, #tpu.memory_space<semaphore_mem>>)
    tpu.enqueue_dma source(%arg5 : memref<8x768xf32, #tpu.memory_space<hbm>>) target(%arg11 : memref<8x768xf32, #tpu.memory_space<vmem>>) target_semaphore(%arg19 : memref<!tpu.dma_semaphore, #tpu.memory_space<semaphore_mem>>)
    %dma_start3A_12 = arith.constant 0 : i32
    %dma_start3A_13 = tpu.memref_slice %arg6[%mul3A_2, %dma_start3A_12] : memref<512x768xf32, #tpu.memory_space<hbm>> -> memref<16x768xf32, #tpu.memory_space<hbm>>
    %dma_start3A_14 = arith.constant 0 : i32
    %dma_start3A_15 = tpu.memref_slice %arg6[%mul3A_2, %dma_start3A_14] : memref<512x768xf32, #tpu.memory_space<hbm>> -> memref<16x768xf32, #tpu.memory_space<hbm>>
    tpu.enqueue_dma source(%dma_start3A_15 : memref<16x768xf32, #tpu.memory_space<hbm>>) target(%arg10 : memref<16x768xf32, #tpu.memory_space<vmem>>) target_semaphore(%arg20 : memref<!tpu.dma_semaphore, #tpu.memory_space<semaphore_mem>>)
    %dma_start3A_16 = arith.constant 0 : i32
    %dma_start3A_17 = arith.constant 0 : i32
    %dma_start3A_18 = arith.constant 0 : i32
    %dma_start3A_19 = tpu.memref_slice %arg13[%dma_start3A_16, %dma_start3A_17, %dma_start3A_18] : memref<4x16x768xf32, #tpu.memory_space<vmem>> -> memref<1x16x768xf32, #tpu.memory_space<vmem>>
    %dma_start3A_20 = tpu.memref_squeeze %dma_start3A_19 : memref<1x16x768xf32, #tpu.memory_space<vmem>> -> memref<16x768xf32, #tpu.memory_space<vmem>>
    %dma_start3A_21 = arith.constant 0 : i32
    %dma_start3A_22 = tpu.memref_slice %arg8[%dma_start3A_21] : memref<1024xi32, #tpu.memory_space<vmem>> -> memref<16xi32, #tpu.memory_space<vmem>>
    %dma_start3A_23 = arith.constant 0 : i32
    %dma_start3A_24 = arith.constant 0 : i32
    %dma_start3A_25 = tpu.memref_slice %arg4[%dma_start3A_23, %dma_start3A_24] : memref<30522x768xf32, #tpu.memory_space<hbm>> -> memref<30522x768xf32, #tpu.memory_space<hbm>>
    tpu.enqueue_indirect_dma source(%dma_start3A_25 : memref<30522x768xf32, #tpu.memory_space<hbm>>) target(%dma_start3A_20 : memref<16x768xf32, #tpu.memory_space<vmem>>) offsets(%dma_start3A_22 : memref<16xi32, #tpu.memory_space<vmem>>) semaphore(%arg14 : memref<!tpu.dma_semaphore, #tpu.memory_space<semaphore_mem>>)
    %dma_start3A_26 = arith.constant 1 : i32
    %dma_start3A_27 = arith.constant 0 : i32
    %dma_start3A_28 = arith.constant 0 : i32
    %dma_start3A_29 = tpu.memref_slice %arg13[%dma_start3A_26, %dma_start3A_27, %dma_start3A_28] : memref<4x16x768xf32, #tpu.memory_space<vmem>> -> memref<1x16x768xf32, #tpu.memory_space<vmem>>
    %dma_start3A_30 = tpu.memref_squeeze %dma_start3A_29 : memref<1x16x768xf32, #tpu.memory_space<vmem>> -> memref<16x768xf32, #tpu.memory_space<vmem>>
    %dma_start3A_31 = arith.constant 16 : i32
    %dma_start3A_32 = tpu.memref_slice %arg8[%dma_start3A_31] : memref<1024xi32, #tpu.memory_space<vmem>> -> memref<16xi32, #tpu.memory_space<vmem>>
    %dma_start3A_33 = arith.constant 0 : i32
    %dma_start3A_34 = arith.constant 0 : i32
    %dma_start3A_35 = tpu.memref_slice %arg4[%dma_start3A_33, %dma_start3A_34] : memref<30522x768xf32, #tpu.memory_space<hbm>> -> memref<30522x768xf32, #tpu.memory_space<hbm>>
    tpu.enqueue_indirect_dma source(%dma_start3A_35 : memref<30522x768xf32, #tpu.memory_space<hbm>>) target(%dma_start3A_30 : memref<16x768xf32, #tpu.memory_space<vmem>>) offsets(%dma_start3A_32 : memref<16xi32, #tpu.memory_space<vmem>>) semaphore(%arg15 : memref<!tpu.dma_semaphore, #tpu.memory_space<semaphore_mem>>)
    %dma_wait3A = arith.constant 0 : i32
    %dma_wait3A_36 = tpu.memref_slice %arg9[%dma_wait3A] : memref<1040xi32, #tpu.memory_space<vmem>> -> memref<1024xi32, #tpu.memory_space<vmem>>
    %dma_wait3A_37 = tpu.memref_slice %arg3[%mul3A_6] : memref<32768xi32, #tpu.memory_space<hbm>> -> memref<1024xi32, #tpu.memory_space<hbm>>
    %dma_wait3A_38 = arith.constant 0 : i32
    %dma_wait3A_39 = tpu.memref_slice %arg9[%dma_wait3A_38] : memref<1040xi32, #tpu.memory_space<vmem>> -> memref<1024xi32, #tpu.memory_space<vmem>>
    %dma_wait3A_40 = tpu.memref_slice %arg3[%mul3A_6] : memref<32768xi32, #tpu.memory_space<hbm>> -> memref<1024xi32, #tpu.memory_space<hbm>>
    tpu.wait_dma2 semaphore(%arg18 : memref<!tpu.dma_semaphore, #tpu.memory_space<semaphore_mem>>) src(%dma_wait3A_40 : memref<1024xi32, #tpu.memory_space<hbm>>) dst(%dma_wait3A_39 : memref<1024xi32, #tpu.memory_space<vmem>>)
    tpu.wait_dma2 semaphore(%arg19 : memref<!tpu.dma_semaphore, #tpu.memory_space<semaphore_mem>>) src(%arg5 : memref<8x768xf32, #tpu.memory_space<hbm>>) dst(%arg11 : memref<8x768xf32, #tpu.memory_space<vmem>>)
    %dma_wait3A_41 = arith.constant 0 : i32
    %dma_wait3A_42 = tpu.memref_slice %arg6[%mul3A_2, %dma_wait3A_41] : memref<512x768xf32, #tpu.memory_space<hbm>> -> memref<16x768xf32, #tpu.memory_space<hbm>>
    %dma_wait3A_43 = arith.constant 0 : i32
    %dma_wait3A_44 = tpu.memref_slice %arg6[%mul3A_2, %dma_wait3A_43] : memref<512x768xf32, #tpu.memory_space<hbm>> -> memref<16x768xf32, #tpu.memory_space<hbm>>
    tpu.wait_dma2 semaphore(%arg20 : memref<!tpu.dma_semaphore, #tpu.memory_space<semaphore_mem>>) src(%dma_wait3A_44 : memref<16x768xf32, #tpu.memory_space<hbm>>) dst(%arg10 : memref<16x768xf32, #tpu.memory_space<vmem>>)
    %scan3A = arith.constant 0 : i32
    %scan3A_45 = arith.constant 0 : i32
    %scan3A_46 = arith.constant 16 : i32
    %scan3A_47 = arith.addi %scan3A_45, %scan3A_46 : i32
    %scan3A_48 = arith.constant 1 : i32
    %scan3A_49 = scf.for %scan3A_288 = %scan3A_45 to %scan3A_47 step %scan3A_48 iter_args(%scan3A_289 = %scan3A) -> (i32)  : i32 {
      %add3A_290 = arith.constant 0 : i32
      %add3A_291 = arith.addi %add3A_290, %scan3A_288 : i32
      %parallel_loop3A = arith.constant 0 : i32
      %parallel_loop3A_292 = arith.constant 768 : i32
      %parallel_loop3A_293 = arith.constant 16 : i32
      scf.for %parallel_loop3A_295 = %parallel_loop3A to %parallel_loop3A_292 step %parallel_loop3A_293  : i32 {
        %parallel_loop3A_296 = arith.index_cast %scan3A_288 : i32 to index
        %parallel_loop3A_297 = arith.index_cast %parallel_loop3A_295 : i32 to index
        %parallel_loop3A_298 = tpu.vector_load %arg10[%parallel_loop3A_296, %parallel_loop3A_297] {strides = array<i32>} : memref<16x768xf32, #tpu.memory_space<vmem>>, vector<1x16xf32>,
        %parallel_loop3A_299 = vector.shape_cast %parallel_loop3A_298 : vector<1x16xf32> to vector<16xf32>
        %parallel_loop3A_300 = arith.constant 0 : i32
        %parallel_loop3A_301 = arith.index_cast %parallel_loop3A_300 : i32 to index
        %parallel_loop3A_302 = arith.index_cast %parallel_loop3A_295 : i32 to index
        %parallel_loop3A_303 = tpu.vector_load %arg11[%parallel_loop3A_301, %parallel_loop3A_302] {strides = array<i32>} : memref<8x768xf32, #tpu.memory_space<vmem>>, vector<1x16xf32>,
        %parallel_loop3A_304 = vector.shape_cast %parallel_loop3A_303 : vector<1x16xf32> to vector<16xf32>
        %parallel_loop3A_305 = arith.addf %parallel_loop3A_299, %parallel_loop3A_304 : vector<16xf32>
        %parallel_loop3A_306 = arith.index_cast %add3A_291 : i32 to index
        %parallel_loop3A_307 = arith.index_cast %parallel_loop3A_295 : i32 to index
        %parallel_loop3A_308 = tpu.vector_load %arg12[%parallel_loop3A_306, %parallel_loop3A_307] {strides = array<i32>} : memref<48x768xf32, #tpu.memory_space<vmem>>, vector<1x16xf32>,
        %parallel_loop3A_309 = vector.shape_cast %parallel_loop3A_308 : vector<1x16xf32> to vector<16xf32>
        %parallel_loop3A_310 = vector.shape_cast %parallel_loop3A_305 : vector<16xf32> to vector<1x16xf32>
        tpu.vector_store %arg12[%parallel_loop3A_306, %parallel_loop3A_307], %parallel_loop3A_310 {strides = array<i32>} : memref<48x768xf32, #tpu.memory_space<vmem>>, vector<1x16xf32>,
      } {sc.loop_unroll_factor = 8 : i64, sc.parallel_access}
      %scan3A_294 = arith.constant 0 : i32
      scf.yield %scan3A_294 : i32
    }
    %scan3A_50 = arith.constant 16 : i32
    %scan3A_51 = arith.constant 0 : i32
    %scan3A_52 = arith.constant 0 : i32
    %scan3A_53 = arith.constant 16 : i32
    %scan3A_54 = arith.addi %scan3A_52, %scan3A_53 : i32
    %scan3A_55 = arith.constant 1 : i32
    %scan3A_56 = scf.for %scan3A_288 = %scan3A_52 to %scan3A_54 step %scan3A_55 iter_args(%scan3A_289 = %scan3A_51) -> (i32)  : i32 {
      %add3A_290 = arith.constant 16 : i32
      %add3A_291 = arith.addi %add3A_290, %scan3A_288 : i32
      %parallel_loop3A = arith.constant 0 : i32
      %parallel_loop3A_292 = arith.constant 768 : i32
      %parallel_loop3A_293 = arith.constant 16 : i32
      scf.for %parallel_loop3A_295 = %parallel_loop3A to %parallel_loop3A_292 step %parallel_loop3A_293  : i32 {
        %parallel_loop3A_296 = arith.index_cast %scan3A_288 : i32 to index
        %parallel_loop3A_297 = arith.index_cast %parallel_loop3A_295 : i32 to index
        %parallel_loop3A_298 = tpu.vector_load %arg10[%parallel_loop3A_296, %parallel_loop3A_297] {strides = array<i32>} : memref<16x768xf32, #tpu.memory_space<vmem>>, vector<1x16xf32>,
        %parallel_loop3A_299 = vector.shape_cast %parallel_loop3A_298 : vector<1x16xf32> to vector<16xf32>
        %parallel_loop3A_300 = arith.constant 1 : i32
        %parallel_loop3A_301 = arith.index_cast %parallel_loop3A_300 : i32 to index
        %parallel_loop3A_302 = arith.index_cast %parallel_loop3A_295 : i32 to index
        %parallel_loop3A_303 = tpu.vector_load %arg11[%parallel_loop3A_301, %parallel_loop3A_302] {strides = array<i32>} : memref<8x768xf32, #tpu.memory_space<vmem>>, vector<1x16xf32>,
        %parallel_loop3A_304 = vector.shape_cast %parallel_loop3A_303 : vector<1x16xf32> to vector<16xf32>
        %parallel_loop3A_305 = arith.addf %parallel_loop3A_299, %parallel_loop3A_304 : vector<16xf32>
        %parallel_loop3A_306 = arith.index_cast %add3A_291 : i32 to index
        %parallel_loop3A_307 = arith.index_cast %parallel_loop3A_295 : i32 to index
        %parallel_loop3A_308 = tpu.vector_load %arg12[%parallel_loop3A_306, %parallel_loop3A_307] {strides = array<i32>} : memref<48x768xf32, #tpu.memory_space<vmem>>, vector<1x16xf32>,
        %parallel_loop3A_309 = vector.shape_cast %parallel_loop3A_308 : vector<1x16xf32> to vector<16xf32>
        %parallel_loop3A_310 = vector.shape_cast %parallel_loop3A_305 : vector<16xf32> to vector<1x16xf32>
        tpu.vector_store %arg12[%parallel_loop3A_306, %parallel_loop3A_307], %parallel_loop3A_310 {strides = array<i32>} : memref<48x768xf32, #tpu.memory_space<vmem>>, vector<1x16xf32>,
      } {sc.loop_unroll_factor = 8 : i64, sc.parallel_access}
      %scan3A_294 = arith.constant 0 : i32
      scf.yield %scan3A_294 : i32
    }
    %scan3A_57 = arith.constant 16 : i32
    %scan3A_58 = arith.constant 0 : i32
    %scan3A_59 = arith.constant 0 : i32
    %scan3A_60 = arith.constant 16 : i32
    %scan3A_61 = arith.addi %scan3A_59, %scan3A_60 : i32
    %scan3A_62 = arith.constant 1 : i32
    %scan3A_63 = scf.for %scan3A_288 = %scan3A_59 to %scan3A_61 step %scan3A_62 iter_args(%scan3A_289 = %scan3A_58) -> (i32)  : i32 {
      %add3A_290 = arith.constant 32 : i32
      %add3A_291 = arith.addi %add3A_290, %scan3A_288 : i32
      %parallel_loop3A = arith.constant 0 : i32
      %parallel_loop3A_292 = arith.constant 768 : i32
      %parallel_loop3A_293 = arith.constant 16 : i32
      scf.for %parallel_loop3A_295 = %parallel_loop3A to %parallel_loop3A_292 step %parallel_loop3A_293  : i32 {
        %parallel_loop3A_296 = arith.index_cast %scan3A_288 : i32 to index
        %parallel_loop3A_297 = arith.index_cast %parallel_loop3A_295 : i32 to index
        %parallel_loop3A_298 = tpu.vector_load %arg10[%parallel_loop3A_296, %parallel_loop3A_297] {strides = array<i32>} : memref<16x768xf32, #tpu.memory_space<vmem>>, vector<1x16xf32>,
        %parallel_loop3A_299 = vector.shape_cast %parallel_loop3A_298 : vector<1x16xf32> to vector<16xf32>
        %parallel_loop3A_300 = arith.constant 2 : i32
        %parallel_loop3A_301 = arith.index_cast %parallel_loop3A_300 : i32 to index
        %parallel_loop3A_302 = arith.index_cast %parallel_loop3A_295 : i32 to index
        %parallel_loop3A_303 = tpu.vector_load %arg11[%parallel_loop3A_301, %parallel_loop3A_302] {strides = array<i32>} : memref<8x768xf32, #tpu.memory_space<vmem>>, vector<1x16xf32>,
        %parallel_loop3A_304 = vector.shape_cast %parallel_loop3A_303 : vector<1x16xf32> to vector<16xf32>
        %parallel_loop3A_305 = arith.addf %parallel_loop3A_299, %parallel_loop3A_304 : vector<16xf32>
        %parallel_loop3A_306 = arith.index_cast %add3A_291 : i32 to index
        %parallel_loop3A_307 = arith.index_cast %parallel_loop3A_295 : i32 to index
        %parallel_loop3A_308 = tpu.vector_load %arg12[%parallel_loop3A_306, %parallel_loop3A_307] {strides = array<i32>} : memref<48x768xf32, #tpu.memory_space<vmem>>, vector<1x16xf32>,
        %parallel_loop3A_309 = vector.shape_cast %parallel_loop3A_308 : vector<1x16xf32> to vector<16xf32>
        %parallel_loop3A_310 = vector.shape_cast %parallel_loop3A_305 : vector<16xf32> to vector<1x16xf32>
        tpu.vector_store %arg12[%parallel_loop3A_306, %parallel_loop3A_307], %parallel_loop3A_310 {strides = array<i32>} : memref<48x768xf32, #tpu.memory_space<vmem>>, vector<1x16xf32>,
      } {sc.loop_unroll_factor = 8 : i64, sc.parallel_access}
      %scan3A_294 = arith.constant 0 : i32
      scf.yield %scan3A_294 : i32
    }
    %scan3A_64 = arith.constant 16 : i32
    %dma_start3A_65 = arith.constant 2 : i32
    %dma_start3A_66 = arith.constant 0 : i32
    %dma_start3A_67 = arith.constant 0 : i32
    %dma_start3A_68 = tpu.memref_slice %arg13[%dma_start3A_65, %dma_start3A_66, %dma_start3A_67] : memref<4x16x768xf32, #tpu.memory_space<vmem>> -> memref<1x16x768xf32, #tpu.memory_space<vmem>>
    %dma_start3A_69 = tpu.memref_squeeze %dma_start3A_68 : memref<1x16x768xf32, #tpu.memory_space<vmem>> -> memref<16x768xf32, #tpu.memory_space<vmem>>
    %dma_start3A_70 = arith.constant 32 : i32
    %dma_start3A_71 = tpu.memref_slice %arg8[%dma_start3A_70] : memref<1024xi32, #tpu.memory_space<vmem>> -> memref<16xi32, #tpu.memory_space<vmem>>
    %dma_start3A_72 = arith.constant 0 : i32
    %dma_start3A_73 = arith.constant 0 : i32
    %dma_start3A_74 = tpu.memref_slice %arg4[%dma_start3A_72, %dma_start3A_73] : memref<30522x768xf32, #tpu.memory_space<hbm>> -> memref<30522x768xf32, #tpu.memory_space<hbm>>
    tpu.enqueue_indirect_dma source(%dma_start3A_74 : memref<30522x768xf32, #tpu.memory_space<hbm>>) target(%dma_start3A_69 : memref<16x768xf32, #tpu.memory_space<vmem>>) offsets(%dma_start3A_71 : memref<16xi32, #tpu.memory_space<vmem>>) semaphore(%arg16 : memref<!tpu.dma_semaphore, #tpu.memory_space<semaphore_mem>>)
    %dma_wait3A_75 = arith.constant 0 : i32
    %dma_wait3A_76 = arith.constant 0 : i32
    %dma_wait3A_77 = arith.constant 0 : i32
    %dma_wait3A_78 = tpu.memref_slice %arg13[%dma_wait3A_75, %dma_wait3A_76, %dma_wait3A_77] : memref<4x16x768xf32, #tpu.memory_space<vmem>> -> memref<1x16x768xf32, #tpu.memory_space<vmem>>
    %dma_wait3A_79 = tpu.memref_squeeze %dma_wait3A_78 : memref<1x16x768xf32, #tpu.memory_space<vmem>> -> memref<16x768xf32, #tpu.memory_space<vmem>>
    %dma_wait3A_80 = arith.constant 0 : i32
    %dma_wait3A_81 = tpu.memref_slice %arg8[%dma_wait3A_80] : memref<1024xi32, #tpu.memory_space<vmem>> -> memref<16xi32, #tpu.memory_space<vmem>>
    %dma_wait3A_82 = arith.constant 0 : i32
    %dma_wait3A_83 = arith.constant 0 : i32
    %dma_wait3A_84 = tpu.memref_slice %arg4[%dma_wait3A_82, %dma_wait3A_83] : memref<30522x768xf32, #tpu.memory_space<hbm>> -> memref<30522x768xf32, #tpu.memory_space<hbm>>
    tpu.wait_indirect_dma semaphore(%arg14 : memref<!tpu.dma_semaphore, #tpu.memory_space<semaphore_mem>>) src(%dma_wait3A_84 : memref<30522x768xf32, #tpu.memory_space<hbm>>) dst(%dma_wait3A_79 : memref<16x768xf32, #tpu.memory_space<vmem>>)
    %scan3A_85 = arith.constant 0 : i32
    %scan3A_86 = arith.constant 0 : i32
    %scan3A_87 = arith.constant 16 : i32
    %scan3A_88 = arith.addi %scan3A_86, %scan3A_87 : i32
    %scan3A_89 = arith.constant 1 : i32
    %scan3A_90 = scf.for %scan3A_288 = %scan3A_86 to %scan3A_88 step %scan3A_89 iter_args(%scan3A_289 = %scan3A_85) -> (i32)  : i32 {
      %add3A_290 = arith.constant 0 : i32
      %add3A_291 = arith.addi %add3A_290, %scan3A_288 : i32
      %get3A = arith.index_cast %add3A_291 : i32 to index
      %get3A_292 = tpu.vector_load %arg9[%get3A] {strides = array<i32>} : memref<1040xi32, #tpu.memory_space<vmem>>, vector<16xi32>,
      %get3A_293 = vector.shape_cast %get3A_292 : vector<16xi32> to vector<16xi32>
      %slice3A = vector.extract_strided_slice %get3A_293 {offsets = [0], sizes = [1], strides = [1]} : vector<16xi32> to vector<1xi32>
      %squeeze3A = vector.extract %slice3A[0] : i32 from vector<1xi32>
      %mul3A_294 = arith.constant 16 : i32
      %mul3A_295 = arith.muli %squeeze3A, %mul3A_294 : i32
      %and3A = arith.constant 15 : i32
      %and3A_296 = arith.andi %scan3A_288, %and3A : i32
      %add3A_297 = arith.addi %mul3A_295, %and3A_296 : i32
      %parallel_loop3A = arith.constant 0 : i32
      %parallel_loop3A_298 = arith.constant 768 : i32
      %parallel_loop3A_299 = arith.constant 16 : i32
      scf.for %parallel_loop3A_301 = %parallel_loop3A to %parallel_loop3A_298 step %parallel_loop3A_299  : i32 {
        %parallel_loop3A_302 = arith.index_cast %add3A_297 : i32 to index
        %parallel_loop3A_303 = arith.index_cast %parallel_loop3A_301 : i32 to index
        %parallel_loop3A_304 = tpu.vector_load %arg12[%parallel_loop3A_302, %parallel_loop3A_303] {strides = array<i32>} : memref<48x768xf32, #tpu.memory_space<vmem>>, vector<1x16xf32>,
        %parallel_loop3A_305 = vector.shape_cast %parallel_loop3A_304 : vector<1x16xf32> to vector<16xf32>
        %parallel_loop3A_306 = arith.constant 0 : i32
        %parallel_loop3A_307 = arith.index_cast %parallel_loop3A_306 : i32 to index
        %parallel_loop3A_308 = arith.index_cast %scan3A_288 : i32 to index
        %parallel_loop3A_309 = arith.index_cast %parallel_loop3A_301 : i32 to index
        %parallel_loop3A_310 = tpu.vector_load %arg13[%parallel_loop3A_307, %parallel_loop3A_308, %parallel_loop3A_309] {strides = array<i32>} : memref<4x16x768xf32, #tpu.memory_space<vmem>>, vector<1x1x16xf32>,
        %parallel_loop3A_311 = vector.shape_cast %parallel_loop3A_310 : vector<1x1x16xf32> to vector<16xf32>
        %parallel_loop3A_312 = vector.shape_cast %parallel_loop3A_305 : vector<16xf32> to vector<1x1x16xf32>
        tpu.vector_store %arg13[%parallel_loop3A_307, %parallel_loop3A_308, %parallel_loop3A_309], %parallel_loop3A_312 {add = true, strides = array<i32>} : memref<4x16x768xf32, #tpu.memory_space<vmem>>, vector<1x1x16xf32>,
      } {sc.loop_unroll_factor = 8 : i64, sc.parallel_access}
      %scan3A_300 = arith.constant 0 : i32
      scf.yield %scan3A_300 : i32
    }
    %scan3A_91 = arith.constant 16 : i32
    %dma_start3A_92 = arith.constant 0 : i32
    %dma_start3A_93 = arith.constant 0 : i32
    %dma_start3A_94 = arith.constant 0 : i32
    %dma_start3A_95 = arith.constant 0 : i32
    %dma_start3A_96 = tpu.memref_slice %arg13[%dma_start3A_92, %dma_start3A_94, %dma_start3A_95] : memref<4x16x768xf32, #tpu.memory_space<vmem>> -> memref<1x16x768xf32, #tpu.memory_space<vmem>>
    %dma_start3A_97 = tpu.memref_squeeze %dma_start3A_96 : memref<1x16x768xf32, #tpu.memory_space<vmem>> -> memref<16x768xf32, #tpu.memory_space<vmem>>
    %dma_start3A_98 = arith.constant 0 : i32
    %dma_start3A_99 = tpu.memref_slice %arg7[%dma_start3A_93, %mul3A_2, %dma_start3A_98] : memref<64x512x768xf32, #tpu.memory_space<hbm>> -> memref<1x16x768xf32, #tpu.memory_space<hbm>>
    %dma_start3A_100 = tpu.memref_squeeze %dma_start3A_99 : memref<1x16x768xf32, #tpu.memory_space<hbm>> -> memref<16x768xf32, #tpu.memory_space<hbm>>
    %dma_start3A_101 = arith.constant 0 : i32
    %dma_start3A_102 = tpu.memref_slice %arg7[%dma_start3A_93, %mul3A_2, %dma_start3A_101] : memref<64x512x768xf32, #tpu.memory_space<hbm>> -> memref<1x16x768xf32, #tpu.memory_space<hbm>>
    %dma_start3A_103 = tpu.memref_squeeze %dma_start3A_102 : memref<1x16x768xf32, #tpu.memory_space<hbm>> -> memref<16x768xf32, #tpu.memory_space<hbm>>
    %dma_start3A_104 = arith.constant 0 : i32
    %dma_start3A_105 = arith.constant 0 : i32
    %dma_start3A_106 = tpu.memref_slice %arg13[%dma_start3A_92, %dma_start3A_104, %dma_start3A_105] : memref<4x16x768xf32, #tpu.memory_space<vmem>> -> memref<1x16x768xf32, #tpu.memory_space<vmem>>
    %dma_start3A_107 = tpu.memref_squeeze %dma_start3A_106 : memref<1x16x768xf32, #tpu.memory_space<vmem>> -> memref<16x768xf32, #tpu.memory_space<vmem>>
    tpu.enqueue_dma source(%dma_start3A_107 : memref<16x768xf32, #tpu.memory_space<vmem>>) target(%dma_start3A_103 : memref<16x768xf32, #tpu.memory_space<hbm>>) target_semaphore(%arg18 : memref<!tpu.dma_semaphore, #tpu.memory_space<semaphore_mem>>)
    %dma_start3A_108 = arith.constant 3 : i32
    %dma_start3A_109 = arith.constant 0 : i32
    %dma_start3A_110 = arith.constant 0 : i32
    %dma_start3A_111 = tpu.memref_slice %arg13[%dma_start3A_108, %dma_start3A_109, %dma_start3A_110] : memref<4x16x768xf32, #tpu.memory_space<vmem>> -> memref<1x16x768xf32, #tpu.memory_space<vmem>>
    %dma_start3A_112 = tpu.memref_squeeze %dma_start3A_111 : memref<1x16x768xf32, #tpu.memory_space<vmem>> -> memref<16x768xf32, #tpu.memory_space<vmem>>
    %dma_start3A_113 = arith.constant 48 : i32
    %dma_start3A_114 = tpu.memref_slice %arg8[%dma_start3A_113] : memref<1024xi32, #tpu.memory_space<vmem>> -> memref<16xi32, #tpu.memory_space<vmem>>
    %dma_start3A_115 = arith.constant 0 : i32
    %dma_start3A_116 = arith.constant 0 : i32
    %dma_start3A_117 = tpu.memref_slice %arg4[%dma_start3A_115, %dma_start3A_116] : memref<30522x768xf32, #tpu.memory_space<hbm>> -> memref<30522x768xf32, #tpu.memory_space<hbm>>
    tpu.enqueue_indirect_dma source(%dma_start3A_117 : memref<30522x768xf32, #tpu.memory_space<hbm>>) target(%dma_start3A_112 : memref<16x768xf32, #tpu.memory_space<vmem>>) offsets(%dma_start3A_114 : memref<16xi32, #tpu.memory_space<vmem>>) semaphore(%arg17 : memref<!tpu.dma_semaphore, #tpu.memory_space<semaphore_mem>>)
    %dma_wait3A_118 = arith.constant 1 : i32
    %dma_wait3A_119 = arith.constant 0 : i32
    %dma_wait3A_120 = arith.constant 0 : i32
    %dma_wait3A_121 = tpu.memref_slice %arg13[%dma_wait3A_118, %dma_wait3A_119, %dma_wait3A_120] : memref<4x16x768xf32, #tpu.memory_space<vmem>> -> memref<1x16x768xf32, #tpu.memory_space<vmem>>
    %dma_wait3A_122 = tpu.memref_squeeze %dma_wait3A_121 : memref<1x16x768xf32, #tpu.memory_space<vmem>> -> memref<16x768xf32, #tpu.memory_space<vmem>>
    %dma_wait3A_123 = arith.constant 16 : i32
    %dma_wait3A_124 = tpu.memref_slice %arg8[%dma_wait3A_123] : memref<1024xi32, #tpu.memory_space<vmem>> -> memref<16xi32, #tpu.memory_space<vmem>>
    %dma_wait3A_125 = arith.constant 0 : i32
    %dma_wait3A_126 = arith.constant 0 : i32
    %dma_wait3A_127 = tpu.memref_slice %arg4[%dma_wait3A_125, %dma_wait3A_126] : memref<30522x768xf32, #tpu.memory_space<hbm>> -> memref<30522x768xf32, #tpu.memory_space<hbm>>
    tpu.wait_indirect_dma semaphore(%arg15 : memref<!tpu.dma_semaphore, #tpu.memory_space<semaphore_mem>>) src(%dma_wait3A_127 : memref<30522x768xf32, #tpu.memory_space<hbm>>) dst(%dma_wait3A_122 : memref<16x768xf32, #tpu.memory_space<vmem>>)
    %scan3A_128 = arith.constant 0 : i32
    %scan3A_129 = arith.constant 0 : i32
    %scan3A_130 = arith.constant 16 : i32
    %scan3A_131 = arith.addi %scan3A_129, %scan3A_130 : i32
    %scan3A_132 = arith.constant 1 : i32
    %scan3A_133 = scf.for %scan3A_288 = %scan3A_129 to %scan3A_131 step %scan3A_132 iter_args(%scan3A_289 = %scan3A_128) -> (i32)  : i32 {
      %add3A_290 = arith.constant 16 : i32
      %add3A_291 = arith.addi %add3A_290, %scan3A_288 : i32
      %get3A = arith.index_cast %add3A_291 : i32 to index
      %get3A_292 = tpu.vector_load %arg9[%get3A] {strides = array<i32>} : memref<1040xi32, #tpu.memory_space<vmem>>, vector<16xi32>,
      %get3A_293 = vector.shape_cast %get3A_292 : vector<16xi32> to vector<16xi32>
      %slice3A = vector.extract_strided_slice %get3A_293 {offsets = [0], sizes = [1], strides = [1]} : vector<16xi32> to vector<1xi32>
      %squeeze3A = vector.extract %slice3A[0] : i32 from vector<1xi32>
      %mul3A_294 = arith.constant 16 : i32
      %mul3A_295 = arith.muli %squeeze3A, %mul3A_294 : i32
      %and3A = arith.constant 15 : i32
      %and3A_296 = arith.andi %scan3A_288, %and3A : i32
      %add3A_297 = arith.addi %mul3A_295, %and3A_296 : i32
      %parallel_loop3A = arith.constant 0 : i32
      %parallel_loop3A_298 = arith.constant 768 : i32
      %parallel_loop3A_299 = arith.constant 16 : i32
      scf.for %parallel_loop3A_301 = %parallel_loop3A to %parallel_loop3A_298 step %parallel_loop3A_299  : i32 {
        %parallel_loop3A_302 = arith.index_cast %add3A_297 : i32 to index
        %parallel_loop3A_303 = arith.index_cast %parallel_loop3A_301 : i32 to index
        %parallel_loop3A_304 = tpu.vector_load %arg12[%parallel_loop3A_302, %parallel_loop3A_303] {strides = array<i32>} : memref<48x768xf32, #tpu.memory_space<vmem>>, vector<1x16xf32>,
        %parallel_loop3A_305 = vector.shape_cast %parallel_loop3A_304 : vector<1x16xf32> to vector<16xf32>
        %parallel_loop3A_306 = arith.constant 1 : i32
        %parallel_loop3A_307 = arith.index_cast %parallel_loop3A_306 : i32 to index
        %parallel_loop3A_308 = arith.index_cast %scan3A_288 : i32 to index
        %parallel_loop3A_309 = arith.index_cast %parallel_loop3A_301 : i32 to index
        %parallel_loop3A_310 = tpu.vector_load %arg13[%parallel_loop3A_307, %parallel_loop3A_308, %parallel_loop3A_309] {strides = array<i32>} : memref<4x16x768xf32, #tpu.memory_space<vmem>>, vector<1x1x16xf32>,
        %parallel_loop3A_311 = vector.shape_cast %parallel_loop3A_310 : vector<1x1x16xf32> to vector<16xf32>
        %parallel_loop3A_312 = vector.shape_cast %parallel_loop3A_305 : vector<16xf32> to vector<1x1x16xf32>
        tpu.vector_store %arg13[%parallel_loop3A_307, %parallel_loop3A_308, %parallel_loop3A_309], %parallel_loop3A_312 {add = true, strides = array<i32>} : memref<4x16x768xf32, #tpu.memory_space<vmem>>, vector<1x1x16xf32>,
      } {sc.loop_unroll_factor = 8 : i64, sc.parallel_access}
      %scan3A_300 = arith.constant 0 : i32
      scf.yield %scan3A_300 : i32
    }
    %scan3A_134 = arith.constant 16 : i32
    %dma_start3A_135 = arith.constant 1 : i32
    %dma_start3A_136 = arith.constant 1 : i32
    %dma_start3A_137 = arith.constant 0 : i32
    %dma_start3A_138 = arith.constant 0 : i32
    %dma_start3A_139 = tpu.memref_slice %arg13[%dma_start3A_135, %dma_start3A_137, %dma_start3A_138] : memref<4x16x768xf32, #tpu.memory_space<vmem>> -> memref<1x16x768xf32, #tpu.memory_space<vmem>>
    %dma_start3A_140 = tpu.memref_squeeze %dma_start3A_139 : memref<1x16x768xf32, #tpu.memory_space<vmem>> -> memref<16x768xf32, #tpu.memory_space<vmem>>
    %dma_start3A_141 = arith.constant 0 : i32
    %dma_start3A_142 = tpu.memref_slice %arg7[%dma_start3A_136, %mul3A_2, %dma_start3A_141] : memref<64x512x768xf32, #tpu.memory_space<hbm>> -> memref<1x16x768xf32, #tpu.memory_space<hbm>>
    %dma_start3A_143 = tpu.memref_squeeze %dma_start3A_142 : memref<1x16x768xf32, #tpu.memory_space<hbm>> -> memref<16x768xf32, #tpu.memory_space<hbm>>
    %dma_start3A_144 = arith.constant 0 : i32
    %dma_start3A_145 = tpu.memref_slice %arg7[%dma_start3A_136, %mul3A_2, %dma_start3A_144] : memref<64x512x768xf32, #tpu.memory_space<hbm>> -> memref<1x16x768xf32, #tpu.memory_space<hbm>>
    %dma_start3A_146 = tpu.memref_squeeze %dma_start3A_145 : memref<1x16x768xf32, #tpu.memory_space<hbm>> -> memref<16x768xf32, #tpu.memory_space<hbm>>
    %dma_start3A_147 = arith.constant 0 : i32
    %dma_start3A_148 = arith.constant 0 : i32
    %dma_start3A_149 = tpu.memref_slice %arg13[%dma_start3A_135, %dma_start3A_147, %dma_start3A_148] : memref<4x16x768xf32, #tpu.memory_space<vmem>> -> memref<1x16x768xf32, #tpu.memory_space<vmem>>
    %dma_start3A_150 = tpu.memref_squeeze %dma_start3A_149 : memref<1x16x768xf32, #tpu.memory_space<vmem>> -> memref<16x768xf32, #tpu.memory_space<vmem>>
    tpu.enqueue_dma source(%dma_start3A_150 : memref<16x768xf32, #tpu.memory_space<vmem>>) target(%dma_start3A_146 : memref<16x768xf32, #tpu.memory_space<hbm>>) target_semaphore(%arg19 : memref<!tpu.dma_semaphore, #tpu.memory_space<semaphore_mem>>)
    %scan3A_151 = arith.constant 0 : i32
    %scan3A_152 = arith.constant 0 : i32
    %scan3A_153 = arith.constant 15 : i32
    %scan3A_154 = arith.addi %scan3A_152, %scan3A_153 : i32
    %scan3A_155 = arith.constant 1 : i32
    %scan3A_156 = scf.for %scan3A_288 = %scan3A_152 to %scan3A_154 step %scan3A_155 iter_args(%scan3A_289 = %scan3A_151) -> (i32)  : i32 {
      %mul3A_290 = arith.constant 4 : i32
      %mul3A_291 = arith.muli %mul3A_290, %scan3A_288 : i32
      %add3A_292 = arith.constant 2 : i32
      %add3A_293 = arith.addi %mul3A_291, %add3A_292 : i32
      %add3A_294 = arith.constant 0 : i32
      %add3A_295 = arith.addi %add3A_293, %add3A_294 : i32
      %sub3A = arith.constant 2 : i32
      %sub3A_296 = arith.subi %add3A_295, %sub3A : i32
      %mul3A_297 = arith.constant 1 : i32
      %mul3A_298 = arith.muli %mul3A_297, %sub3A_296 : i32
      %add3A_299 = arith.constant 0 : i32
      %add3A_300 = arith.addi %mul3A_298, %add3A_299 : i32
      %dma_wait3A_301 = arith.constant 0 : i32
      %dma_wait3A_302 = arith.constant 0 : i32
      %dma_wait3A_303 = arith.constant 0 : i32
      %dma_wait3A_304 = tpu.memref_slice %arg13[%dma_wait3A_301, %dma_wait3A_302, %dma_wait3A_303] : memref<4x16x768xf32, #tpu.memory_space<vmem>> -> memref<1x16x768xf32, #tpu.memory_space<vmem>>
      %dma_wait3A_305 = tpu.memref_squeeze %dma_wait3A_304 : memref<1x16x768xf32, #tpu.memory_space<vmem>> -> memref<16x768xf32, #tpu.memory_space<vmem>>
      %dma_wait3A_306 = arith.constant 0 : i32
      %dma_wait3A_307 = tpu.memref_slice %arg7[%add3A_300, %mul3A_2, %dma_wait3A_306] : memref<64x512x768xf32, #tpu.memory_space<hbm>> -> memref<1x16x768xf32, #tpu.memory_space<hbm>>
      %dma_wait3A_308 = tpu.memref_squeeze %dma_wait3A_307 : memref<1x16x768xf32, #tpu.memory_space<hbm>> -> memref<16x768xf32, #tpu.memory_space<hbm>>
      %dma_wait3A_309 = arith.constant 0 : i32
      %dma_wait3A_310 = tpu.memref_slice %arg7[%add3A_300, %mul3A_2, %dma_wait3A_309] : memref<64x512x768xf32, #tpu.memory_space<hbm>> -> memref<1x16x768xf32, #tpu.memory_space<hbm>>
      %dma_wait3A_311 = tpu.memref_squeeze %dma_wait3A_310 : memref<1x16x768xf32, #tpu.memory_space<hbm>> -> memref<16x768xf32, #tpu.memory_space<hbm>>
      %dma_wait3A_312 = arith.constant 0 : i32
      %dma_wait3A_313 = arith.constant 0 : i32
      %dma_wait3A_314 = tpu.memref_slice %arg13[%dma_wait3A_301, %dma_wait3A_312, %dma_wait3A_313] : memref<4x16x768xf32, #tpu.memory_space<vmem>> -> memref<1x16x768xf32, #tpu.memory_space<vmem>>
      %dma_wait3A_315 = tpu.memref_squeeze %dma_wait3A_314 : memref<1x16x768xf32, #tpu.memory_space<vmem>> -> memref<16x768xf32, #tpu.memory_space<vmem>>
      tpu.wait_dma2 semaphore(%arg18 : memref<!tpu.dma_semaphore, #tpu.memory_space<semaphore_mem>>) src(%dma_wait3A_315 : memref<16x768xf32, #tpu.memory_space<vmem>>) dst(%dma_wait3A_311 : memref<16x768xf32, #tpu.memory_space<hbm>>)
      %add3A_316 = arith.constant 2 : i32
      %add3A_317 = arith.addi %add3A_295, %add3A_316 : i32
      %mul3A_318 = arith.constant 16 : i32
      %mul3A_319 = arith.muli %add3A_317, %mul3A_318 : i32
      %dma_start3A_320 = arith.constant 0 : i32
      %dma_start3A_321 = arith.constant 0 : i32
      %dma_start3A_322 = arith.constant 0 : i32
      %dma_start3A_323 = tpu.memref_slice %arg13[%dma_start3A_320, %dma_start3A_321, %dma_start3A_322] : memref<4x16x768xf32, #tpu.memory_space<vmem>> -> memref<1x16x768xf32, #tpu.memory_space<vmem>>
      %dma_start3A_324 = tpu.memref_squeeze %dma_start3A_323 : memref<1x16x768xf32, #tpu.memory_space<vmem>> -> memref<16x768xf32, #tpu.memory_space<vmem>>
      %dma_start3A_325 = tpu.memref_slice %arg8[%mul3A_319] : memref<1024xi32, #tpu.memory_space<vmem>> -> memref<16xi32, #tpu.memory_space<vmem>>
      %dma_start3A_326 = arith.constant 0 : i32
      %dma_start3A_327 = arith.constant 0 : i32
      %dma_start3A_328 = tpu.memref_slice %arg4[%dma_start3A_326, %dma_start3A_327] : memref<30522x768xf32, #tpu.memory_space<hbm>> -> memref<30522x768xf32, #tpu.memory_space<hbm>>
      tpu.enqueue_indirect_dma source(%dma_start3A_328 : memref<30522x768xf32, #tpu.memory_space<hbm>>) target(%dma_start3A_324 : memref<16x768xf32, #tpu.memory_space<vmem>>) offsets(%dma_start3A_325 : memref<16xi32, #tpu.memory_space<vmem>>) semaphore(%arg14 : memref<!tpu.dma_semaphore, #tpu.memory_space<semaphore_mem>>)
      %mul3A_329 = arith.constant 16 : i32
      %mul3A_330 = arith.muli %add3A_295, %mul3A_329 : i32
      %dma_wait3A_331 = arith.constant 2 : i32
      %dma_wait3A_332 = arith.constant 0 : i32
      %dma_wait3A_333 = arith.constant 0 : i32
      %dma_wait3A_334 = tpu.memref_slice %arg13[%dma_wait3A_331, %dma_wait3A_332, %dma_wait3A_333] : memref<4x16x768xf32, #tpu.memory_space<vmem>> -> memref<1x16x768xf32, #tpu.memory_space<vmem>>
      %dma_wait3A_335 = tpu.memref_squeeze %dma_wait3A_334 : memref<1x16x768xf32, #tpu.memory_space<vmem>> -> memref<16x768xf32, #tpu.memory_space<vmem>>
      %dma_wait3A_336 = tpu.memref_slice %arg8[%mul3A_330] : memref<1024xi32, #tpu.memory_space<vmem>> -> memref<16xi32, #tpu.memory_space<vmem>>
      %dma_wait3A_337 = arith.constant 0 : i32
      %dma_wait3A_338 = arith.constant 0 : i32
      %dma_wait3A_339 = tpu.memref_slice %arg4[%dma_wait3A_337, %dma_wait3A_338] : memref<30522x768xf32, #tpu.memory_space<hbm>> -> memref<30522x768xf32, #tpu.memory_space<hbm>>
      tpu.wait_indirect_dma semaphore(%arg16 : memref<!tpu.dma_semaphore, #tpu.memory_space<semaphore_mem>>) src(%dma_wait3A_339 : memref<30522x768xf32, #tpu.memory_space<hbm>>) dst(%dma_wait3A_335 : memref<16x768xf32, #tpu.memory_space<vmem>>)
      %scan3A_340 = arith.constant 0 : i32
      %scan3A_341 = arith.constant 0 : i32
      %scan3A_342 = arith.constant 16 : i32
      %scan3A_343 = arith.addi %scan3A_341, %scan3A_342 : i32
      %scan3A_344 = arith.constant 1 : i32
      %scan3A_345 = scf.for %scan3A_586 = %scan3A_341 to %scan3A_343 step %scan3A_344 iter_args(%scan3A_587 = %scan3A_340) -> (i32)  : i32 {
        %mul3A_588 = arith.constant 16 : i32
        %mul3A_589 = arith.muli %add3A_295, %mul3A_588 : i32
        %add3A_590 = arith.addi %mul3A_589, %scan3A_586 : i32
        %get3A = arith.index_cast %add3A_590 : i32 to index
        %get3A_591 = tpu.vector_load %arg9[%get3A] {strides = array<i32>} : memref<1040xi32, #tpu.memory_space<vmem>>, vector<16xi32>,
        %get3A_592 = vector.shape_cast %get3A_591 : vector<16xi32> to vector<16xi32>
        %slice3A = vector.extract_strided_slice %get3A_592 {offsets = [0], sizes = [1], strides = [1]} : vector<16xi32> to vector<1xi32>
        %squeeze3A = vector.extract %slice3A[0] : i32 from vector<1xi32>
        %mul3A_593 = arith.constant 16 : i32
        %mul3A_594 = arith.muli %squeeze3A, %mul3A_593 : i32
        %and3A = arith.constant 15 : i32
        %and3A_595 = arith.andi %scan3A_586, %and3A : i32
        %add3A_596 = arith.addi %mul3A_594, %and3A_595 : i32
        %parallel_loop3A = arith.constant 0 : i32
        %parallel_loop3A_597 = arith.constant 768 : i32
        %parallel_loop3A_598 = arith.constant 16 : i32
        scf.for %parallel_loop3A_600 = %parallel_loop3A to %parallel_loop3A_597 step %parallel_loop3A_598  : i32 {
          %parallel_loop3A_601 = arith.index_cast %add3A_596 : i32 to index
          %parallel_loop3A_602 = arith.index_cast %parallel_loop3A_600 : i32 to index
          %parallel_loop3A_603 = tpu.vector_load %arg12[%parallel_loop3A_601, %parallel_loop3A_602] {strides = array<i32>} : memref<48x768xf32, #tpu.memory_space<vmem>>, vector<1x16xf32>,
          %parallel_loop3A_604 = vector.shape_cast %parallel_loop3A_603 : vector<1x16xf32> to vector<16xf32>
          %parallel_loop3A_605 = arith.constant 2 : i32
          %parallel_loop3A_606 = arith.index_cast %parallel_loop3A_605 : i32 to index
          %parallel_loop3A_607 = arith.index_cast %scan3A_586 : i32 to index
          %parallel_loop3A_608 = arith.index_cast %parallel_loop3A_600 : i32 to index
          %parallel_loop3A_609 = tpu.vector_load %arg13[%parallel_loop3A_606, %parallel_loop3A_607, %parallel_loop3A_608] {strides = array<i32>} : memref<4x16x768xf32, #tpu.memory_space<vmem>>, vector<1x1x16xf32>,
          %parallel_loop3A_610 = vector.shape_cast %parallel_loop3A_609 : vector<1x1x16xf32> to vector<16xf32>
          %parallel_loop3A_611 = vector.shape_cast %parallel_loop3A_604 : vector<16xf32> to vector<1x1x16xf32>
          tpu.vector_store %arg13[%parallel_loop3A_606, %parallel_loop3A_607, %parallel_loop3A_608], %parallel_loop3A_611 {add = true, strides = array<i32>} : memref<4x16x768xf32, #tpu.memory_space<vmem>>, vector<1x1x16xf32>,
        } {sc.loop_unroll_factor = 8 : i64, sc.parallel_access}
        %scan3A_599 = arith.constant 0 : i32
        scf.yield %scan3A_599 : i32
      }
      %scan3A_346 = arith.constant 16 : i32
      %mul3A_347 = arith.constant 1 : i32
      %mul3A_348 = arith.muli %mul3A_347, %add3A_295 : i32
      %add3A_349 = arith.constant 0 : i32
      %add3A_350 = arith.addi %mul3A_348, %add3A_349 : i32
      %dma_start3A_351 = arith.constant 2 : i32
      %dma_start3A_352 = arith.constant 0 : i32
      %dma_start3A_353 = arith.constant 0 : i32
      %dma_start3A_354 = tpu.memref_slice %arg13[%dma_start3A_351, %dma_start3A_352, %dma_start3A_353] : memref<4x16x768xf32, #tpu.memory_space<vmem>> -> memref<1x16x768xf32, #tpu.memory_space<vmem>>
      %dma_start3A_355 = tpu.memref_squeeze %dma_start3A_354 : memref<1x16x768xf32, #tpu.memory_space<vmem>> -> memref<16x768xf32, #tpu.memory_space<vmem>>
      %dma_start3A_356 = arith.constant 0 : i32
      %dma_start3A_357 = tpu.memref_slice %arg7[%add3A_350, %mul3A_2, %dma_start3A_356] : memref<64x512x768xf32, #tpu.memory_space<hbm>> -> memref<1x16x768xf32, #tpu.memory_space<hbm>>
      %dma_start3A_358 = tpu.memref_squeeze %dma_start3A_357 : memref<1x16x768xf32, #tpu.memory_space<hbm>> -> memref<16x768xf32, #tpu.memory_space<hbm>>
      %dma_start3A_359 = arith.constant 0 : i32
      %dma_start3A_360 = tpu.memref_slice %arg7[%add3A_350, %mul3A_2, %dma_start3A_359] : memref<64x512x768xf32, #tpu.memory_space<hbm>> -> memref<1x16x768xf32, #tpu.memory_space<hbm>>
      %dma_start3A_361 = tpu.memref_squeeze %dma_start3A_360 : memref<1x16x768xf32, #tpu.memory_space<hbm>> -> memref<16x768xf32, #tpu.memory_space<hbm>>
      %dma_start3A_362 = arith.constant 0 : i32
      %dma_start3A_363 = arith.constant 0 : i32
      %dma_start3A_364 = tpu.memref_slice %arg13[%dma_start3A_351, %dma_start3A_362, %dma_start3A_363] : memref<4x16x768xf32, #tpu.memory_space<vmem>> -> memref<1x16x768xf32, #tpu.memory_space<vmem>>
      %dma_start3A_365 = tpu.memref_squeeze %dma_start3A_364 : memref<1x16x768xf32, #tpu.memory_space<vmem>> -> memref<16x768xf32, #tpu.memory_space<vmem>>
      tpu.enqueue_dma source(%dma_start3A_365 : memref<16x768xf32, #tpu.memory_space<vmem>>) target(%dma_start3A_361 : memref<16x768xf32, #tpu.memory_space<hbm>>) target_semaphore(%arg20 : memref<!tpu.dma_semaphore, #tpu.memory_space<semaphore_mem>>)
      %add3A_366 = arith.constant 1 : i32
      %add3A_367 = arith.addi %add3A_293, %add3A_366 : i32
      %sub3A_368 = arith.constant 2 : i32
      %sub3A_369 = arith.subi %add3A_367, %sub3A_368 : i32
      %mul3A_370 = arith.constant 1 : i32
      %mul3A_371 = arith.muli %mul3A_370, %sub3A_369 : i32
      %add3A_372 = arith.constant 0 : i32
      %add3A_373 = arith.addi %mul3A_371, %add3A_372 : i32
      %dma_wait3A_374 = arith.constant 1 : i32
      %dma_wait3A_375 = arith.constant 0 : i32
      %dma_wait3A_376 = arith.constant 0 : i32
      %dma_wait3A_377 = tpu.memref_slice %arg13[%dma_wait3A_374, %dma_wait3A_375, %dma_wait3A_376] : memref<4x16x768xf32, #tpu.memory_space<vmem>> -> memref<1x16x768xf32, #tpu.memory_space<vmem>>
      %dma_wait3A_378 = tpu.memref_squeeze %dma_wait3A_377 : memref<1x16x768xf32, #tpu.memory_space<vmem>> -> memref<16x768xf32, #tpu.memory_space<vmem>>
      %dma_wait3A_379 = arith.constant 0 : i32
      %dma_wait3A_380 = tpu.memref_slice %arg7[%add3A_373, %mul3A_2, %dma_wait3A_379] : memref<64x512x768xf32, #tpu.memory_space<hbm>> -> memref<1x16x768xf32, #tpu.memory_space<hbm>>
      %dma_wait3A_381 = tpu.memref_squeeze %dma_wait3A_380 : memref<1x16x768xf32, #tpu.memory_space<hbm>> -> memref<16x768xf32, #tpu.memory_space<hbm>>
      %dma_wait3A_382 = arith.constant 0 : i32
      %dma_wait3A_383 = tpu.memref_slice %arg7[%add3A_373, %mul3A_2, %dma_wait3A_382] : memref<64x512x768xf32, #tpu.memory_space<hbm>> -> memref<1x16x768xf32, #tpu.memory_space<hbm>>
      %dma_wait3A_384 = tpu.memref_squeeze %dma_wait3A_383 : memref<1x16x768xf32, #tpu.memory_space<hbm>> -> memref<16x768xf32, #tpu.memory_space<hbm>>
      %dma_wait3A_385 = arith.constant 0 : i32
      %dma_wait3A_386 = arith.constant 0 : i32
      %dma_wait3A_387 = tpu.memref_slice %arg13[%dma_wait3A_374, %dma_wait3A_385, %dma_wait3A_386] : memref<4x16x768xf32, #tpu.memory_space<vmem>> -> memref<1x16x768xf32, #tpu.memory_space<vmem>>
      %dma_wait3A_388 = tpu.memref_squeeze %dma_wait3A_387 : memref<1x16x768xf32, #tpu.memory_space<vmem>> -> memref<16x768xf32, #tpu.memory_space<vmem>>
      tpu.wait_dma2 semaphore(%arg19 : memref<!tpu.dma_semaphore, #tpu.memory_space<semaphore_mem>>) src(%dma_wait3A_388 : memref<16x768xf32, #tpu.memory_space<vmem>>) dst(%dma_wait3A_384 : memref<16x768xf32, #tpu.memory_space<hbm>>)
      %add3A_389 = arith.constant 2 : i32
      %add3A_390 = arith.addi %add3A_367, %add3A_389 : i32
      %mul3A_391 = arith.constant 16 : i32
      %mul3A_392 = arith.muli %add3A_390, %mul3A_391 : i32
      %dma_start3A_393 = arith.constant 1 : i32
      %dma_start3A_394 = arith.constant 0 : i32
      %dma_start3A_395 = arith.constant 0 : i32
      %dma_start3A_396 = tpu.memref_slice %arg13[%dma_start3A_393, %dma_start3A_394, %dma_start3A_395] : memref<4x16x768xf32, #tpu.memory_space<vmem>> -> memref<1x16x768xf32, #tpu.memory_space<vmem>>
      %dma_start3A_397 = tpu.memref_squeeze %dma_start3A_396 : memref<1x16x768xf32, #tpu.memory_space<vmem>> -> memref<16x768xf32, #tpu.memory_space<vmem>>
      %dma_start3A_398 = tpu.memref_slice %arg8[%mul3A_392] : memref<1024xi32, #tpu.memory_space<vmem>> -> memref<16xi32, #tpu.memory_space<vmem>>
      %dma_start3A_399 = arith.constant 0 : i32
      %dma_start3A_400 = arith.constant 0 : i32
      %dma_start3A_401 = tpu.memref_slice %arg4[%dma_start3A_399, %dma_start3A_400] : memref<30522x768xf32, #tpu.memory_space<hbm>> -> memref<30522x768xf32, #tpu.memory_space<hbm>>
      tpu.enqueue_indirect_dma source(%dma_start3A_401 : memref<30522x768xf32, #tpu.memory_space<hbm>>) target(%dma_start3A_397 : memref<16x768xf32, #tpu.memory_space<vmem>>) offsets(%dma_start3A_398 : memref<16xi32, #tpu.memory_space<vmem>>) semaphore(%arg15 : memref<!tpu.dma_semaphore, #tpu.memory_space<semaphore_mem>>)
      %mul3A_402 = arith.constant 16 : i32
      %mul3A_403 = arith.muli %add3A_367, %mul3A_402 : i32
      %dma_wait3A_404 = arith.constant 3 : i32
      %dma_wait3A_405 = arith.constant 0 : i32
      %dma_wait3A_406 = arith.constant 0 : i32
      %dma_wait3A_407 = tpu.memref_slice %arg13[%dma_wait3A_404, %dma_wait3A_405, %dma_wait3A_406] : memref<4x16x768xf32, #tpu.memory_space<vmem>> -> memref<1x16x768xf32, #tpu.memory_space<vmem>>
      %dma_wait3A_408 = tpu.memref_squeeze %dma_wait3A_407 : memref<1x16x768xf32, #tpu.memory_space<vmem>> -> memref<16x768xf32, #tpu.memory_space<vmem>>
      %dma_wait3A_409 = tpu.memref_slice %arg8[%mul3A_403] : memref<1024xi32, #tpu.memory_space<vmem>> -> memref<16xi32, #tpu.memory_space<vmem>>
      %dma_wait3A_410 = arith.constant 0 : i32
      %dma_wait3A_411 = arith.constant 0 : i32
      %dma_wait3A_412 = tpu.memref_slice %arg4[%dma_wait3A_410, %dma_wait3A_411] : memref<30522x768xf32, #tpu.memory_space<hbm>> -> memref<30522x768xf32, #tpu.memory_space<hbm>>
      tpu.wait_indirect_dma semaphore(%arg17 : memref<!tpu.dma_semaphore, #tpu.memory_space<semaphore_mem>>) src(%dma_wait3A_412 : memref<30522x768xf32, #tpu.memory_space<hbm>>) dst(%dma_wait3A_408 : memref<16x768xf32, #tpu.memory_space<vmem>>)
      %scan3A_413 = arith.constant 0 : i32
      %scan3A_414 = arith.constant 0 : i32
      %scan3A_415 = arith.constant 16 : i32
      %scan3A_416 = arith.addi %scan3A_414, %scan3A_415 : i32
      %scan3A_417 = arith.constant 1 : i32
      %scan3A_418 = scf.for %scan3A_586 = %scan3A_414 to %scan3A_416 step %scan3A_417 iter_args(%scan3A_587 = %scan3A_413) -> (i32)  : i32 {
        %mul3A_588 = arith.constant 16 : i32
        %mul3A_589 = arith.muli %add3A_367, %mul3A_588 : i32
        %add3A_590 = arith.addi %mul3A_589, %scan3A_586 : i32
        %get3A = arith.index_cast %add3A_590 : i32 to index
        %get3A_591 = tpu.vector_load %arg9[%get3A] {strides = array<i32>} : memref<1040xi32, #tpu.memory_space<vmem>>, vector<16xi32>,
        %get3A_592 = vector.shape_cast %get3A_591 : vector<16xi32> to vector<16xi32>
        %slice3A = vector.extract_strided_slice %get3A_592 {offsets = [0], sizes = [1], strides = [1]} : vector<16xi32> to vector<1xi32>
        %squeeze3A = vector.extract %slice3A[0] : i32 from vector<1xi32>
        %mul3A_593 = arith.constant 16 : i32
        %mul3A_594 = arith.muli %squeeze3A, %mul3A_593 : i32
        %and3A = arith.constant 15 : i32
        %and3A_595 = arith.andi %scan3A_586, %and3A : i32
        %add3A_596 = arith.addi %mul3A_594, %and3A_595 : i32
        %parallel_loop3A = arith.constant 0 : i32
        %parallel_loop3A_597 = arith.constant 768 : i32
        %parallel_loop3A_598 = arith.constant 16 : i32
        scf.for %parallel_loop3A_600 = %parallel_loop3A to %parallel_loop3A_597 step %parallel_loop3A_598  : i32 {
          %parallel_loop3A_601 = arith.index_cast %add3A_596 : i32 to index
          %parallel_loop3A_602 = arith.index_cast %parallel_loop3A_600 : i32 to index
          %parallel_loop3A_603 = tpu.vector_load %arg12[%parallel_loop3A_601, %parallel_loop3A_602] {strides = array<i32>} : memref<48x768xf32, #tpu.memory_space<vmem>>, vector<1x16xf32>,
          %parallel_loop3A_604 = vector.shape_cast %parallel_loop3A_603 : vector<1x16xf32> to vector<16xf32>
          %parallel_loop3A_605 = arith.constant 3 : i32
          %parallel_loop3A_606 = arith.index_cast %parallel_loop3A_605 : i32 to index
          %parallel_loop3A_607 = arith.index_cast %scan3A_586 : i32 to index
          %parallel_loop3A_608 = arith.index_cast %parallel_loop3A_600 : i32 to index
          %parallel_loop3A_609 = tpu.vector_load %arg13[%parallel_loop3A_606, %parallel_loop3A_607, %parallel_loop3A_608] {strides = array<i32>} : memref<4x16x768xf32, #tpu.memory_space<vmem>>, vector<1x1x16xf32>,
          %parallel_loop3A_610 = vector.shape_cast %parallel_loop3A_609 : vector<1x1x16xf32> to vector<16xf32>
          %parallel_loop3A_611 = vector.shape_cast %parallel_loop3A_604 : vector<16xf32> to vector<1x1x16xf32>
          tpu.vector_store %arg13[%parallel_loop3A_606, %parallel_loop3A_607, %parallel_loop3A_608], %parallel_loop3A_611 {add = true, strides = array<i32>} : memref<4x16x768xf32, #tpu.memory_space<vmem>>, vector<1x1x16xf32>,
        } {sc.loop_unroll_factor = 8 : i64, sc.parallel_access}
        %scan3A_599 = arith.constant 0 : i32
        scf.yield %scan3A_599 : i32
      }
      %scan3A_419 = arith.constant 16 : i32
      %mul3A_420 = arith.constant 1 : i32
      %mul3A_421 = arith.muli %mul3A_420, %add3A_367 : i32
      %add3A_422 = arith.constant 0 : i32
      %add3A_423 = arith.addi %mul3A_421, %add3A_422 : i32
      %dma_start3A_424 = arith.constant 3 : i32
      %dma_start3A_425 = arith.constant 0 : i32
      %dma_start3A_426 = arith.constant 0 : i32
      %dma_start3A_427 = tpu.memref_slice %arg13[%dma_start3A_424, %dma_start3A_425, %dma_start3A_426] : memref<4x16x768xf32, #tpu.memory_space<vmem>> -> memref<1x16x768xf32, #tpu.memory_space<vmem>>
      %dma_start3A_428 = tpu.memref_squeeze %dma_start3A_427 : memref<1x16x768xf32, #tpu.memory_space<vmem>> -> memref<16x768xf32, #tpu.memory_space<vmem>>
      %dma_start3A_429 = arith.constant 0 : i32
      %dma_start3A_430 = tpu.memref_slice %arg7[%add3A_423, %mul3A_2, %dma_start3A_429] : memref<64x512x768xf32, #tpu.memory_space<hbm>> -> memref<1x16x768xf32, #tpu.memory_space<hbm>>
      %dma_start3A_431 = tpu.memref_squeeze %dma_start3A_430 : memref<1x16x768xf32, #tpu.memory_space<hbm>> -> memref<16x768xf32, #tpu.memory_space<hbm>>
      %dma_start3A_432 = arith.constant 0 : i32
      %dma_start3A_433 = tpu.memref_slice %arg7[%add3A_423, %mul3A_2, %dma_start3A_432] : memref<64x512x768xf32, #tpu.memory_space<hbm>> -> memref<1x16x768xf32, #tpu.memory_space<hbm>>
      %dma_start3A_434 = tpu.memref_squeeze %dma_start3A_433 : memref<1x16x768xf32, #tpu.memory_space<hbm>> -> memref<16x768xf32, #tpu.memory_space<hbm>>
      %dma_start3A_435 = arith.constant 0 : i32
      %dma_start3A_436 = arith.constant 0 : i32
      %dma_start3A_437 = tpu.memref_slice %arg13[%dma_start3A_424, %dma_start3A_435, %dma_start3A_436] : memref<4x16x768xf32, #tpu.memory_space<vmem>> -> memref<1x16x768xf32, #tpu.memory_space<vmem>>
      %dma_start3A_438 = tpu.memref_squeeze %dma_start3A_437 : memref<1x16x768xf32, #tpu.memory_space<vmem>> -> memref<16x768xf32, #tpu.memory_space<vmem>>
      tpu.enqueue_dma source(%dma_start3A_438 : memref<16x768xf32, #tpu.memory_space<vmem>>) target(%dma_start3A_434 : memref<16x768xf32, #tpu.memory_space<hbm>>) target_semaphore(%arg21 : memref<!tpu.dma_semaphore, #tpu.memory_space<semaphore_mem>>)
      %add3A_439 = arith.constant 2 : i32
      %add3A_440 = arith.addi %add3A_293, %add3A_439 : i32
      %sub3A_441 = arith.constant 2 : i32
      %sub3A_442 = arith.subi %add3A_440, %sub3A_441 : i32
      %mul3A_443 = arith.constant 1 : i32
      %mul3A_444 = arith.muli %mul3A_443, %sub3A_442 : i32
      %add3A_445 = arith.constant 0 : i32
      %add3A_446 = arith.addi %mul3A_444, %add3A_445 : i32
      %dma_wait3A_447 = arith.constant 2 : i32
      %dma_wait3A_448 = arith.constant 0 : i32
      %dma_wait3A_449 = arith.constant 0 : i32
      %dma_wait3A_450 = tpu.memref_slice %arg13[%dma_wait3A_447, %dma_wait3A_448, %dma_wait3A_449] : memref<4x16x768xf32, #tpu.memory_space<vmem>> -> memref<1x16x768xf32, #tpu.memory_space<vmem>>
      %dma_wait3A_451 = tpu.memref_squeeze %dma_wait3A_450 : memref<1x16x768xf32, #tpu.memory_space<vmem>> -> memref<16x768xf32, #tpu.memory_space<vmem>>
      %dma_wait3A_452 = arith.constant 0 : i32
      %dma_wait3A_453 = tpu.memref_slice %arg7[%add3A_446, %mul3A_2, %dma_wait3A_452] : memref<64x512x768xf32, #tpu.memory_space<hbm>> -> memref<1x16x768xf32, #tpu.memory_space<hbm>>
      %dma_wait3A_454 = tpu.memref_squeeze %dma_wait3A_453 : memref<1x16x768xf32, #tpu.memory_space<hbm>> -> memref<16x768xf32, #tpu.memory_space<hbm>>
      %dma_wait3A_455 = arith.constant 0 : i32
      %dma_wait3A_456 = tpu.memref_slice %arg7[%add3A_446, %mul3A_2, %dma_wait3A_455] : memref<64x512x768xf32, #tpu.memory_space<hbm>> -> memref<1x16x768xf32, #tpu.memory_space<hbm>>
      %dma_wait3A_457 = tpu.memref_squeeze %dma_wait3A_456 : memref<1x16x768xf32, #tpu.memory_space<hbm>> -> memref<16x768xf32, #tpu.memory_space<hbm>>
      %dma_wait3A_458 = arith.constant 0 : i32
      %dma_wait3A_459 = arith.constant 0 : i32
      %dma_wait3A_460 = tpu.memref_slice %arg13[%dma_wait3A_447, %dma_wait3A_458, %dma_wait3A_459] : memref<4x16x768xf32, #tpu.memory_space<vmem>> -> memref<1x16x768xf32, #tpu.memory_space<vmem>>
      %dma_wait3A_461 = tpu.memref_squeeze %dma_wait3A_460 : memref<1x16x768xf32, #tpu.memory_space<vmem>> -> memref<16x768xf32, #tpu.memory_space<vmem>>
      tpu.wait_dma2 semaphore(%arg20 : memref<!tpu.dma_semaphore, #tpu.memory_space<semaphore_mem>>) src(%dma_wait3A_461 : memref<16x768xf32, #tpu.memory_space<vmem>>) dst(%dma_wait3A_457 : memref<16x768xf32, #tpu.memory_space<hbm>>)
      %add3A_462 = arith.constant 2 : i32
      %add3A_463 = arith.addi %add3A_440, %add3A_462 : i32
      %mul3A_464 = arith.constant 16 : i32
      %mul3A_465 = arith.muli %add3A_463, %mul3A_464 : i32
      %dma_start3A_466 = arith.constant 2 : i32
      %dma_start3A_467 = arith.constant 0 : i32
      %dma_start3A_468 = arith.constant 0 : i32
      %dma_start3A_469 = tpu.memref_slice %arg13[%dma_start3A_466, %dma_start3A_467, %dma_start3A_468] : memref<4x16x768xf32, #tpu.memory_space<vmem>> -> memref<1x16x768xf32, #tpu.memory_space<vmem>>
      %dma_start3A_470 = tpu.memref_squeeze %dma_start3A_469 : memref<1x16x768xf32, #tpu.memory_space<vmem>> -> memref<16x768xf32, #tpu.memory_space<vmem>>
      %dma_start3A_471 = tpu.memref_slice %arg8[%mul3A_465] : memref<1024xi32, #tpu.memory_space<vmem>> -> memref<16xi32, #tpu.memory_space<vmem>>
      %dma_start3A_472 = arith.constant 0 : i32
      %dma_start3A_473 = arith.constant 0 : i32
      %dma_start3A_474 = tpu.memref_slice %arg4[%dma_start3A_472, %dma_start3A_473] : memref<30522x768xf32, #tpu.memory_space<hbm>> -> memref<30522x768xf32, #tpu.memory_space<hbm>>
      tpu.enqueue_indirect_dma source(%dma_start3A_474 : memref<30522x768xf32, #tpu.memory_space<hbm>>) target(%dma_start3A_470 : memref<16x768xf32, #tpu.memory_space<vmem>>) offsets(%dma_start3A_471 : memref<16xi32, #tpu.memory_space<vmem>>) semaphore(%arg16 : memref<!tpu.dma_semaphore, #tpu.memory_space<semaphore_mem>>)
      %mul3A_475 = arith.constant 16 : i32
      %mul3A_476 = arith.muli %add3A_440, %mul3A_475 : i32
      %dma_wait3A_477 = arith.constant 0 : i32
      %dma_wait3A_478 = arith.constant 0 : i32
      %dma_wait3A_479 = arith.constant 0 : i32
      %dma_wait3A_480 = tpu.memref_slice %arg13[%dma_wait3A_477, %dma_wait3A_478, %dma_wait3A_479] : memref<4x16x768xf32, #tpu.memory_space<vmem>> -> memref<1x16x768xf32, #tpu.memory_space<vmem>>
      %dma_wait3A_481 = tpu.memref_squeeze %dma_wait3A_480 : memref<1x16x768xf32, #tpu.memory_space<vmem>> -> memref<16x768xf32, #tpu.memory_space<vmem>>
      %dma_wait3A_482 = tpu.memref_slice %arg8[%mul3A_476] : memref<1024xi32, #tpu.memory_space<vmem>> -> memref<16xi32, #tpu.memory_space<vmem>>
      %dma_wait3A_483 = arith.constant 0 : i32
      %dma_wait3A_484 = arith.constant 0 : i32
      %dma_wait3A_485 = tpu.memref_slice %arg4[%dma_wait3A_483, %dma_wait3A_484] : memref<30522x768xf32, #tpu.memory_space<hbm>> -> memref<30522x768xf32, #tpu.memory_space<hbm>>
      tpu.wait_indirect_dma semaphore(%arg14 : memref<!tpu.dma_semaphore, #tpu.memory_space<semaphore_mem>>) src(%dma_wait3A_485 : memref<30522x768xf32, #tpu.memory_space<hbm>>) dst(%dma_wait3A_481 : memref<16x768xf32, #tpu.memory_space<vmem>>)
      %scan3A_486 = arith.constant 0 : i32
      %scan3A_487 = arith.constant 0 : i32
      %scan3A_488 = arith.constant 16 : i32
      %scan3A_489 = arith.addi %scan3A_487, %scan3A_488 : i32
      %scan3A_490 = arith.constant 1 : i32
      %scan3A_491 = scf.for %scan3A_586 = %scan3A_487 to %scan3A_489 step %scan3A_490 iter_args(%scan3A_587 = %scan3A_486) -> (i32)  : i32 {
        %mul3A_588 = arith.constant 16 : i32
        %mul3A_589 = arith.muli %add3A_440, %mul3A_588 : i32
        %add3A_590 = arith.addi %mul3A_589, %scan3A_586 : i32
        %get3A = arith.index_cast %add3A_590 : i32 to index
        %get3A_591 = tpu.vector_load %arg9[%get3A] {strides = array<i32>} : memref<1040xi32, #tpu.memory_space<vmem>>, vector<16xi32>,
        %get3A_592 = vector.shape_cast %get3A_591 : vector<16xi32> to vector<16xi32>
        %slice3A = vector.extract_strided_slice %get3A_592 {offsets = [0], sizes = [1], strides = [1]} : vector<16xi32> to vector<1xi32>
        %squeeze3A = vector.extract %slice3A[0] : i32 from vector<1xi32>
        %mul3A_593 = arith.constant 16 : i32
        %mul3A_594 = arith.muli %squeeze3A, %mul3A_593 : i32
        %and3A = arith.constant 15 : i32
        %and3A_595 = arith.andi %scan3A_586, %and3A : i32
        %add3A_596 = arith.addi %mul3A_594, %and3A_595 : i32
        %parallel_loop3A = arith.constant 0 : i32
        %parallel_loop3A_597 = arith.constant 768 : i32
        %parallel_loop3A_598 = arith.constant 16 : i32
        scf.for %parallel_loop3A_600 = %parallel_loop3A to %parallel_loop3A_597 step %parallel_loop3A_598  : i32 {
          %parallel_loop3A_601 = arith.index_cast %add3A_596 : i32 to index
          %parallel_loop3A_602 = arith.index_cast %parallel_loop3A_600 : i32 to index
          %parallel_loop3A_603 = tpu.vector_load %arg12[%parallel_loop3A_601, %parallel_loop3A_602] {strides = array<i32>} : memref<48x768xf32, #tpu.memory_space<vmem>>, vector<1x16xf32>,
          %parallel_loop3A_604 = vector.shape_cast %parallel_loop3A_603 : vector<1x16xf32> to vector<16xf32>
          %parallel_loop3A_605 = arith.constant 0 : i32
          %parallel_loop3A_606 = arith.index_cast %parallel_loop3A_605 : i32 to index
          %parallel_loop3A_607 = arith.index_cast %scan3A_586 : i32 to index
          %parallel_loop3A_608 = arith.index_cast %parallel_loop3A_600 : i32 to index
          %parallel_loop3A_609 = tpu.vector_load %arg13[%parallel_loop3A_606, %parallel_loop3A_607, %parallel_loop3A_608] {strides = array<i32>} : memref<4x16x768xf32, #tpu.memory_space<vmem>>, vector<1x1x16xf32>,
          %parallel_loop3A_610 = vector.shape_cast %parallel_loop3A_609 : vector<1x1x16xf32> to vector<16xf32>
          %parallel_loop3A_611 = vector.shape_cast %parallel_loop3A_604 : vector<16xf32> to vector<1x1x16xf32>
          tpu.vector_store %arg13[%parallel_loop3A_606, %parallel_loop3A_607, %parallel_loop3A_608], %parallel_loop3A_611 {add = true, strides = array<i32>} : memref<4x16x768xf32, #tpu.memory_space<vmem>>, vector<1x1x16xf32>,
        } {sc.loop_unroll_factor = 8 : i64, sc.parallel_access}
        %scan3A_599 = arith.constant 0 : i32
        scf.yield %scan3A_599 : i32
      }
      %scan3A_492 = arith.constant 16 : i32
      %mul3A_493 = arith.constant 1 : i32
      %mul3A_494 = arith.muli %mul3A_493, %add3A_440 : i32
      %add3A_495 = arith.constant 0 : i32
      %add3A_496 = arith.addi %mul3A_494, %add3A_495 : i32
      %dma_start3A_497 = arith.constant 0 : i32
      %dma_start3A_498 = arith.constant 0 : i32
      %dma_start3A_499 = arith.constant 0 : i32
      %dma_start3A_500 = tpu.memref_slice %arg13[%dma_start3A_497, %dma_start3A_498, %dma_start3A_499] : memref<4x16x768xf32, #tpu.memory_space<vmem>> -> memref<1x16x768xf32, #tpu.memory_space<vmem>>
      %dma_start3A_501 = tpu.memref_squeeze %dma_start3A_500 : memref<1x16x768xf32, #tpu.memory_space<vmem>> -> memref<16x768xf32, #tpu.memory_space<vmem>>
      %dma_start3A_502 = arith.constant 0 : i32
      %dma_start3A_503 = tpu.memref_slice %arg7[%add3A_496, %mul3A_2, %dma_start3A_502] : memref<64x512x768xf32, #tpu.memory_space<hbm>> -> memref<1x16x768xf32, #tpu.memory_space<hbm>>
      %dma_start3A_504 = tpu.memref_squeeze %dma_start3A_503 : memref<1x16x768xf32, #tpu.memory_space<hbm>> -> memref<16x768xf32, #tpu.memory_space<hbm>>
      %dma_start3A_505 = arith.constant 0 : i32
      %dma_start3A_506 = tpu.memref_slice %arg7[%add3A_496, %mul3A_2, %dma_start3A_505] : memref<64x512x768xf32, #tpu.memory_space<hbm>> -> memref<1x16x768xf32, #tpu.memory_space<hbm>>
      %dma_start3A_507 = tpu.memref_squeeze %dma_start3A_506 : memref<1x16x768xf32, #tpu.memory_space<hbm>> -> memref<16x768xf32, #tpu.memory_space<hbm>>
      %dma_start3A_508 = arith.constant 0 : i32
      %dma_start3A_509 = arith.constant 0 : i32
      %dma_start3A_510 = tpu.memref_slice %arg13[%dma_start3A_497, %dma_start3A_508, %dma_start3A_509] : memref<4x16x768xf32, #tpu.memory_space<vmem>> -> memref<1x16x768xf32, #tpu.memory_space<vmem>>
      %dma_start3A_511 = tpu.memref_squeeze %dma_start3A_510 : memref<1x16x768xf32, #tpu.memory_space<vmem>> -> memref<16x768xf32, #tpu.memory_space<vmem>>
      tpu.enqueue_dma source(%dma_start3A_511 : memref<16x768xf32, #tpu.memory_space<vmem>>) target(%dma_start3A_507 : memref<16x768xf32, #tpu.memory_space<hbm>>) target_semaphore(%arg18 : memref<!tpu.dma_semaphore, #tpu.memory_space<semaphore_mem>>)
      %add3A_512 = arith.constant 3 : i32
      %add3A_513 = arith.addi %add3A_293, %add3A_512 : i32
      %sub3A_514 = arith.constant 2 : i32
      %sub3A_515 = arith.subi %add3A_513, %sub3A_514 : i32
      %mul3A_516 = arith.constant 1 : i32
      %mul3A_517 = arith.muli %mul3A_516, %sub3A_515 : i32
      %add3A_518 = arith.constant 0 : i32
      %add3A_519 = arith.addi %mul3A_517, %add3A_518 : i32
      %dma_wait3A_520 = arith.constant 3 : i32
      %dma_wait3A_521 = arith.constant 0 : i32
      %dma_wait3A_522 = arith.constant 0 : i32
      %dma_wait3A_523 = tpu.memref_slice %arg13[%dma_wait3A_520, %dma_wait3A_521, %dma_wait3A_522] : memref<4x16x768xf32, #tpu.memory_space<vmem>> -> memref<1x16x768xf32, #tpu.memory_space<vmem>>
      %dma_wait3A_524 = tpu.memref_squeeze %dma_wait3A_523 : memref<1x16x768xf32, #tpu.memory_space<vmem>> -> memref<16x768xf32, #tpu.memory_space<vmem>>
      %dma_wait3A_525 = arith.constant 0 : i32
      %dma_wait3A_526 = tpu.memref_slice %arg7[%add3A_519, %mul3A_2, %dma_wait3A_525] : memref<64x512x768xf32, #tpu.memory_space<hbm>> -> memref<1x16x768xf32, #tpu.memory_space<hbm>>
      %dma_wait3A_527 = tpu.memref_squeeze %dma_wait3A_526 : memref<1x16x768xf32, #tpu.memory_space<hbm>> -> memref<16x768xf32, #tpu.memory_space<hbm>>
      %dma_wait3A_528 = arith.constant 0 : i32
      %dma_wait3A_529 = tpu.memref_slice %arg7[%add3A_519, %mul3A_2, %dma_wait3A_528] : memref<64x512x768xf32, #tpu.memory_space<hbm>> -> memref<1x16x768xf32, #tpu.memory_space<hbm>>
      %dma_wait3A_530 = tpu.memref_squeeze %dma_wait3A_529 : memref<1x16x768xf32, #tpu.memory_space<hbm>> -> memref<16x768xf32, #tpu.memory_space<hbm>>
      %dma_wait3A_531 = arith.constant 0 : i32
      %dma_wait3A_532 = arith.constant 0 : i32
      %dma_wait3A_533 = tpu.memref_slice %arg13[%dma_wait3A_520, %dma_wait3A_531, %dma_wait3A_532] : memref<4x16x768xf32, #tpu.memory_space<vmem>> -> memref<1x16x768xf32, #tpu.memory_space<vmem>>
      %dma_wait3A_534 = tpu.memref_squeeze %dma_wait3A_533 : memref<1x16x768xf32, #tpu.memory_space<vmem>> -> memref<16x768xf32, #tpu.memory_space<vmem>>
      tpu.wait_dma2 semaphore(%arg21 : memref<!tpu.dma_semaphore, #tpu.memory_space<semaphore_mem>>) src(%dma_wait3A_534 : memref<16x768xf32, #tpu.memory_space<vmem>>) dst(%dma_wait3A_530 : memref<16x768xf32, #tpu.memory_space<hbm>>)
      %add3A_535 = arith.constant 2 : i32
      %add3A_536 = arith.addi %add3A_513, %add3A_535 : i32
      %mul3A_537 = arith.constant 16 : i32
      %mul3A_538 = arith.muli %add3A_536, %mul3A_537 : i32
      %dma_start3A_539 = arith.constant 3 : i32
      %dma_start3A_540 = arith.constant 0 : i32
      %dma_start3A_541 = arith.constant 0 : i32
      %dma_start3A_542 = tpu.memref_slice %arg13[%dma_start3A_539, %dma_start3A_540, %dma_start3A_541] : memref<4x16x768xf32, #tpu.memory_space<vmem>> -> memref<1x16x768xf32, #tpu.memory_space<vmem>>
      %dma_start3A_543 = tpu.memref_squeeze %dma_start3A_542 : memref<1x16x768xf32, #tpu.memory_space<vmem>> -> memref<16x768xf32, #tpu.memory_space<vmem>>
      %dma_start3A_544 = tpu.memref_slice %arg8[%mul3A_538] : memref<1024xi32, #tpu.memory_space<vmem>> -> memref<16xi32, #tpu.memory_space<vmem>>
      %dma_start3A_545 = arith.constant 0 : i32
      %dma_start3A_546 = arith.constant 0 : i32
      %dma_start3A_547 = tpu.memref_slice %arg4[%dma_start3A_545, %dma_start3A_546] : memref<30522x768xf32, #tpu.memory_space<hbm>> -> memref<30522x768xf32, #tpu.memory_space<hbm>>
      tpu.enqueue_indirect_dma source(%dma_start3A_547 : memref<30522x768xf32, #tpu.memory_space<hbm>>) target(%dma_start3A_543 : memref<16x768xf32, #tpu.memory_space<vmem>>) offsets(%dma_start3A_544 : memref<16xi32, #tpu.memory_space<vmem>>) semaphore(%arg17 : memref<!tpu.dma_semaphore, #tpu.memory_space<semaphore_mem>>)
      %mul3A_548 = arith.constant 16 : i32
      %mul3A_549 = arith.muli %add3A_513, %mul3A_548 : i32
      %dma_wait3A_550 = arith.constant 1 : i32
      %dma_wait3A_551 = arith.constant 0 : i32
      %dma_wait3A_552 = arith.constant 0 : i32
      %dma_wait3A_553 = tpu.memref_slice %arg13[%dma_wait3A_550, %dma_wait3A_551, %dma_wait3A_552] : memref<4x16x768xf32, #tpu.memory_space<vmem>> -> memref<1x16x768xf32, #tpu.memory_space<vmem>>
      %dma_wait3A_554 = tpu.memref_squeeze %dma_wait3A_553 : memref<1x16x768xf32, #tpu.memory_space<vmem>> -> memref<16x768xf32, #tpu.memory_space<vmem>>
      %dma_wait3A_555 = tpu.memref_slice %arg8[%mul3A_549] : memref<1024xi32, #tpu.memory_space<vmem>> -> memref<16xi32, #tpu.memory_space<vmem>>
      %dma_wait3A_556 = arith.constant 0 : i32
      %dma_wait3A_557 = arith.constant 0 : i32
      %dma_wait3A_558 = tpu.memref_slice %arg4[%dma_wait3A_556, %dma_wait3A_557] : memref<30522x768xf32, #tpu.memory_space<hbm>> -> memref<30522x768xf32, #tpu.memory_space<hbm>>
      tpu.wait_indirect_dma semaphore(%arg15 : memref<!tpu.dma_semaphore, #tpu.memory_space<semaphore_mem>>) src(%dma_wait3A_558 : memref<30522x768xf32, #tpu.memory_space<hbm>>) dst(%dma_wait3A_554 : memref<16x768xf32, #tpu.memory_space<vmem>>)
      %scan3A_559 = arith.constant 0 : i32
      %scan3A_560 = arith.constant 0 : i32
      %scan3A_561 = arith.constant 16 : i32
      %scan3A_562 = arith.addi %scan3A_560, %scan3A_561 : i32
      %scan3A_563 = arith.constant 1 : i32
      %scan3A_564 = scf.for %scan3A_586 = %scan3A_560 to %scan3A_562 step %scan3A_563 iter_args(%scan3A_587 = %scan3A_559) -> (i32)  : i32 {
        %mul3A_588 = arith.constant 16 : i32
        %mul3A_589 = arith.muli %add3A_513, %mul3A_588 : i32
        %add3A_590 = arith.addi %mul3A_589, %scan3A_586 : i32
        %get3A = arith.index_cast %add3A_590 : i32 to index
        %get3A_591 = tpu.vector_load %arg9[%get3A] {strides = array<i32>} : memref<1040xi32, #tpu.memory_space<vmem>>, vector<16xi32>,
        %get3A_592 = vector.shape_cast %get3A_591 : vector<16xi32> to vector<16xi32>
        %slice3A = vector.extract_strided_slice %get3A_592 {offsets = [0], sizes = [1], strides = [1]} : vector<16xi32> to vector<1xi32>
        %squeeze3A = vector.extract %slice3A[0] : i32 from vector<1xi32>
        %mul3A_593 = arith.constant 16 : i32
        %mul3A_594 = arith.muli %squeeze3A, %mul3A_593 : i32
        %and3A = arith.constant 15 : i32
        %and3A_595 = arith.andi %scan3A_586, %and3A : i32
        %add3A_596 = arith.addi %mul3A_594, %and3A_595 : i32
        %parallel_loop3A = arith.constant 0 : i32
        %parallel_loop3A_597 = arith.constant 768 : i32
        %parallel_loop3A_598 = arith.constant 16 : i32
        scf.for %parallel_loop3A_600 = %parallel_loop3A to %parallel_loop3A_597 step %parallel_loop3A_598  : i32 {
          %parallel_loop3A_601 = arith.index_cast %add3A_596 : i32 to index
          %parallel_loop3A_602 = arith.index_cast %parallel_loop3A_600 : i32 to index
          %parallel_loop3A_603 = tpu.vector_load %arg12[%parallel_loop3A_601, %parallel_loop3A_602] {strides = array<i32>} : memref<48x768xf32, #tpu.memory_space<vmem>>, vector<1x16xf32>,
          %parallel_loop3A_604 = vector.shape_cast %parallel_loop3A_603 : vector<1x16xf32> to vector<16xf32>
          %parallel_loop3A_605 = arith.constant 1 : i32
          %parallel_loop3A_606 = arith.index_cast %parallel_loop3A_605 : i32 to index
          %parallel_loop3A_607 = arith.index_cast %scan3A_586 : i32 to index
          %parallel_loop3A_608 = arith.index_cast %parallel_loop3A_600 : i32 to index
          %parallel_loop3A_609 = tpu.vector_load %arg13[%parallel_loop3A_606, %parallel_loop3A_607, %parallel_loop3A_608] {strides = array<i32>} : memref<4x16x768xf32, #tpu.memory_space<vmem>>, vector<1x1x16xf32>,
          %parallel_loop3A_610 = vector.shape_cast %parallel_loop3A_609 : vector<1x1x16xf32> to vector<16xf32>
          %parallel_loop3A_611 = vector.shape_cast %parallel_loop3A_604 : vector<16xf32> to vector<1x1x16xf32>
          tpu.vector_store %arg13[%parallel_loop3A_606, %parallel_loop3A_607, %parallel_loop3A_608], %parallel_loop3A_611 {add = true, strides = array<i32>} : memref<4x16x768xf32, #tpu.memory_space<vmem>>, vector<1x1x16xf32>,
        } {sc.loop_unroll_factor = 8 : i64, sc.parallel_access}
        %scan3A_599 = arith.constant 0 : i32
        scf.yield %scan3A_599 : i32
      }
      %scan3A_565 = arith.constant 16 : i32
      %mul3A_566 = arith.constant 1 : i32
      %mul3A_567 = arith.muli %mul3A_566, %add3A_513 : i32
      %add3A_568 = arith.constant 0 : i32
      %add3A_569 = arith.addi %mul3A_567, %add3A_568 : i32
      %dma_start3A_570 = arith.constant 1 : i32
      %dma_start3A_571 = arith.constant 0 : i32
      %dma_start3A_572 = arith.constant 0 : i32
      %dma_start3A_573 = tpu.memref_slice %arg13[%dma_start3A_570, %dma_start3A_571, %dma_start3A_572] : memref<4x16x768xf32, #tpu.memory_space<vmem>> -> memref<1x16x768xf32, #tpu.memory_space<vmem>>
      %dma_start3A_574 = tpu.memref_squeeze %dma_start3A_573 : memref<1x16x768xf32, #tpu.memory_space<vmem>> -> memref<16x768xf32, #tpu.memory_space<vmem>>
      %dma_start3A_575 = arith.constant 0 : i32
      %dma_start3A_576 = tpu.memref_slice %arg7[%add3A_569, %mul3A_2, %dma_start3A_575] : memref<64x512x768xf32, #tpu.memory_space<hbm>> -> memref<1x16x768xf32, #tpu.memory_space<hbm>>
      %dma_start3A_577 = tpu.memref_squeeze %dma_start3A_576 : memref<1x16x768xf32, #tpu.memory_space<hbm>> -> memref<16x768xf32, #tpu.memory_space<hbm>>
      %dma_start3A_578 = arith.constant 0 : i32
      %dma_start3A_579 = tpu.memref_slice %arg7[%add3A_569, %mul3A_2, %dma_start3A_578] : memref<64x512x768xf32, #tpu.memory_space<hbm>> -> memref<1x16x768xf32, #tpu.memory_space<hbm>>
      %dma_start3A_580 = tpu.memref_squeeze %dma_start3A_579 : memref<1x16x768xf32, #tpu.memory_space<hbm>> -> memref<16x768xf32, #tpu.memory_space<hbm>>
      %dma_start3A_581 = arith.constant 0 : i32
      %dma_start3A_582 = arith.constant 0 : i32
      %dma_start3A_583 = tpu.memref_slice %arg13[%dma_start3A_570, %dma_start3A_581, %dma_start3A_582] : memref<4x16x768xf32, #tpu.memory_space<vmem>> -> memref<1x16x768xf32, #tpu.memory_space<vmem>>
      %dma_start3A_584 = tpu.memref_squeeze %dma_start3A_583 : memref<1x16x768xf32, #tpu.memory_space<vmem>> -> memref<16x768xf32, #tpu.memory_space<vmem>>
      tpu.enqueue_dma source(%dma_start3A_584 : memref<16x768xf32, #tpu.memory_space<vmem>>) target(%dma_start3A_580 : memref<16x768xf32, #tpu.memory_space<hbm>>) target_semaphore(%arg19 : memref<!tpu.dma_semaphore, #tpu.memory_space<semaphore_mem>>)
      %scan3A_585 = arith.constant 0 : i32
      scf.yield %scan3A_585 : i32
    }
    %scan3A_157 = arith.constant 15 : i32
    %dma_wait3A_158 = arith.constant 0 : i32
    %dma_wait3A_159 = arith.constant 60 : i32
    %dma_wait3A_160 = arith.constant 0 : i32
    %dma_wait3A_161 = arith.constant 0 : i32
    %dma_wait3A_162 = tpu.memref_slice %arg13[%dma_wait3A_158, %dma_wait3A_160, %dma_wait3A_161] : memref<4x16x768xf32, #tpu.memory_space<vmem>> -> memref<1x16x768xf32, #tpu.memory_space<vmem>>
    %dma_wait3A_163 = tpu.memref_squeeze %dma_wait3A_162 : memref<1x16x768xf32, #tpu.memory_space<vmem>> -> memref<16x768xf32, #tpu.memory_space<vmem>>
    %dma_wait3A_164 = arith.constant 0 : i32
    %dma_wait3A_165 = tpu.memref_slice %arg7[%dma_wait3A_159, %mul3A_2, %dma_wait3A_164] : memref<64x512x768xf32, #tpu.memory_space<hbm>> -> memref<1x16x768xf32, #tpu.memory_space<hbm>>
    %dma_wait3A_166 = tpu.memref_squeeze %dma_wait3A_165 : memref<1x16x768xf32, #tpu.memory_space<hbm>> -> memref<16x768xf32, #tpu.memory_space<hbm>>
    %dma_wait3A_167 = arith.constant 0 : i32
    %dma_wait3A_168 = tpu.memref_slice %arg7[%dma_wait3A_159, %mul3A_2, %dma_wait3A_167] : memref<64x512x768xf32, #tpu.memory_space<hbm>> -> memref<1x16x768xf32, #tpu.memory_space<hbm>>
    %dma_wait3A_169 = tpu.memref_squeeze %dma_wait3A_168 : memref<1x16x768xf32, #tpu.memory_space<hbm>> -> memref<16x768xf32, #tpu.memory_space<hbm>>
    %dma_wait3A_170 = arith.constant 0 : i32
    %dma_wait3A_171 = arith.constant 0 : i32
    %dma_wait3A_172 = tpu.memref_slice %arg13[%dma_wait3A_158, %dma_wait3A_170, %dma_wait3A_171] : memref<4x16x768xf32, #tpu.memory_space<vmem>> -> memref<1x16x768xf32, #tpu.memory_space<vmem>>
    %dma_wait3A_173 = tpu.memref_squeeze %dma_wait3A_172 : memref<1x16x768xf32, #tpu.memory_space<vmem>> -> memref<16x768xf32, #tpu.memory_space<vmem>>
    tpu.wait_dma2 semaphore(%arg18 : memref<!tpu.dma_semaphore, #tpu.memory_space<semaphore_mem>>) src(%dma_wait3A_173 : memref<16x768xf32, #tpu.memory_space<vmem>>) dst(%dma_wait3A_169 : memref<16x768xf32, #tpu.memory_space<hbm>>)
    %dma_wait3A_174 = arith.constant 2 : i32
    %dma_wait3A_175 = arith.constant 0 : i32
    %dma_wait3A_176 = arith.constant 0 : i32
    %dma_wait3A_177 = tpu.memref_slice %arg13[%dma_wait3A_174, %dma_wait3A_175, %dma_wait3A_176] : memref<4x16x768xf32, #tpu.memory_space<vmem>> -> memref<1x16x768xf32, #tpu.memory_space<vmem>>
    %dma_wait3A_178 = tpu.memref_squeeze %dma_wait3A_177 : memref<1x16x768xf32, #tpu.memory_space<vmem>> -> memref<16x768xf32, #tpu.memory_space<vmem>>
    %dma_wait3A_179 = arith.constant 992 : i32
    %dma_wait3A_180 = tpu.memref_slice %arg8[%dma_wait3A_179] : memref<1024xi32, #tpu.memory_space<vmem>> -> memref<16xi32, #tpu.memory_space<vmem>>
    %dma_wait3A_181 = arith.constant 0 : i32
    %dma_wait3A_182 = arith.constant 0 : i32
    %dma_wait3A_183 = tpu.memref_slice %arg4[%dma_wait3A_181, %dma_wait3A_182] : memref<30522x768xf32, #tpu.memory_space<hbm>> -> memref<30522x768xf32, #tpu.memory_space<hbm>>
    tpu.wait_indirect_dma semaphore(%arg16 : memref<!tpu.dma_semaphore, #tpu.memory_space<semaphore_mem>>) src(%dma_wait3A_183 : memref<30522x768xf32, #tpu.memory_space<hbm>>) dst(%dma_wait3A_178 : memref<16x768xf32, #tpu.memory_space<vmem>>)
    %scan3A_184 = arith.constant 0 : i32
    %scan3A_185 = arith.constant 0 : i32
    %scan3A_186 = arith.constant 16 : i32
    %scan3A_187 = arith.addi %scan3A_185, %scan3A_186 : i32
    %scan3A_188 = arith.constant 1 : i32
    %scan3A_189 = scf.for %scan3A_288 = %scan3A_185 to %scan3A_187 step %scan3A_188 iter_args(%scan3A_289 = %scan3A_184) -> (i32)  : i32 {
      %add3A_290 = arith.constant 992 : i32
      %add3A_291 = arith.addi %add3A_290, %scan3A_288 : i32
      %get3A = arith.index_cast %add3A_291 : i32 to index
      %get3A_292 = tpu.vector_load %arg9[%get3A] {strides = array<i32>} : memref<1040xi32, #tpu.memory_space<vmem>>, vector<16xi32>,
      %get3A_293 = vector.shape_cast %get3A_292 : vector<16xi32> to vector<16xi32>
      %slice3A = vector.extract_strided_slice %get3A_293 {offsets = [0], sizes = [1], strides = [1]} : vector<16xi32> to vector<1xi32>
      %squeeze3A = vector.extract %slice3A[0] : i32 from vector<1xi32>
      %mul3A_294 = arith.constant 16 : i32
      %mul3A_295 = arith.muli %squeeze3A, %mul3A_294 : i32
      %and3A = arith.constant 15 : i32
      %and3A_296 = arith.andi %scan3A_288, %and3A : i32
      %add3A_297 = arith.addi %mul3A_295, %and3A_296 : i32
      %parallel_loop3A = arith.constant 0 : i32
      %parallel_loop3A_298 = arith.constant 768 : i32
      %parallel_loop3A_299 = arith.constant 16 : i32
      scf.for %parallel_loop3A_301 = %parallel_loop3A to %parallel_loop3A_298 step %parallel_loop3A_299  : i32 {
        %parallel_loop3A_302 = arith.index_cast %add3A_297 : i32 to index
        %parallel_loop3A_303 = arith.index_cast %parallel_loop3A_301 : i32 to index
        %parallel_loop3A_304 = tpu.vector_load %arg12[%parallel_loop3A_302, %parallel_loop3A_303] {strides = array<i32>} : memref<48x768xf32, #tpu.memory_space<vmem>>, vector<1x16xf32>,
        %parallel_loop3A_305 = vector.shape_cast %parallel_loop3A_304 : vector<1x16xf32> to vector<16xf32>
        %parallel_loop3A_306 = arith.constant 2 : i32
        %parallel_loop3A_307 = arith.index_cast %parallel_loop3A_306 : i32 to index
        %parallel_loop3A_308 = arith.index_cast %scan3A_288 : i32 to index
        %parallel_loop3A_309 = arith.index_cast %parallel_loop3A_301 : i32 to index
        %parallel_loop3A_310 = tpu.vector_load %arg13[%parallel_loop3A_307, %parallel_loop3A_308, %parallel_loop3A_309] {strides = array<i32>} : memref<4x16x768xf32, #tpu.memory_space<vmem>>, vector<1x1x16xf32>,
        %parallel_loop3A_311 = vector.shape_cast %parallel_loop3A_310 : vector<1x1x16xf32> to vector<16xf32>
        %parallel_loop3A_312 = vector.shape_cast %parallel_loop3A_305 : vector<16xf32> to vector<1x1x16xf32>
        tpu.vector_store %arg13[%parallel_loop3A_307, %parallel_loop3A_308, %parallel_loop3A_309], %parallel_loop3A_312 {add = true, strides = array<i32>} : memref<4x16x768xf32, #tpu.memory_space<vmem>>, vector<1x1x16xf32>,
      } {sc.loop_unroll_factor = 8 : i64, sc.parallel_access}
      %scan3A_300 = arith.constant 0 : i32
      scf.yield %scan3A_300 : i32
    }
    %scan3A_190 = arith.constant 16 : i32
    %dma_start3A_191 = arith.constant 2 : i32
    %dma_start3A_192 = arith.constant 62 : i32
    %dma_start3A_193 = arith.constant 0 : i32
    %dma_start3A_194 = arith.constant 0 : i32
    %dma_start3A_195 = tpu.memref_slice %arg13[%dma_start3A_191, %dma_start3A_193, %dma_start3A_194] : memref<4x16x768xf32, #tpu.memory_space<vmem>> -> memref<1x16x768xf32, #tpu.memory_space<vmem>>
    %dma_start3A_196 = tpu.memref_squeeze %dma_start3A_195 : memref<1x16x768xf32, #tpu.memory_space<vmem>> -> memref<16x768xf32, #tpu.memory_space<vmem>>
    %dma_start3A_197 = arith.constant 0 : i32
    %dma_start3A_198 = tpu.memref_slice %arg7[%dma_start3A_192, %mul3A_2, %dma_start3A_197] : memref<64x512x768xf32, #tpu.memory_space<hbm>> -> memref<1x16x768xf32, #tpu.memory_space<hbm>>
    %dma_start3A_199 = tpu.memref_squeeze %dma_start3A_198 : memref<1x16x768xf32, #tpu.memory_space<hbm>> -> memref<16x768xf32, #tpu.memory_space<hbm>>
    %dma_start3A_200 = arith.constant 0 : i32
    %dma_start3A_201 = tpu.memref_slice %arg7[%dma_start3A_192, %mul3A_2, %dma_start3A_200] : memref<64x512x768xf32, #tpu.memory_space<hbm>> -> memref<1x16x768xf32, #tpu.memory_space<hbm>>
    %dma_start3A_202 = tpu.memref_squeeze %dma_start3A_201 : memref<1x16x768xf32, #tpu.memory_space<hbm>> -> memref<16x768xf32, #tpu.memory_space<hbm>>
    %dma_start3A_203 = arith.constant 0 : i32
    %dma_start3A_204 = arith.constant 0 : i32
    %dma_start3A_205 = tpu.memref_slice %arg13[%dma_start3A_191, %dma_start3A_203, %dma_start3A_204] : memref<4x16x768xf32, #tpu.memory_space<vmem>> -> memref<1x16x768xf32, #tpu.memory_space<vmem>>
    %dma_start3A_206 = tpu.memref_squeeze %dma_start3A_205 : memref<1x16x768xf32, #tpu.memory_space<vmem>> -> memref<16x768xf32, #tpu.memory_space<vmem>>
    tpu.enqueue_dma source(%dma_start3A_206 : memref<16x768xf32, #tpu.memory_space<vmem>>) target(%dma_start3A_202 : memref<16x768xf32, #tpu.memory_space<hbm>>) target_semaphore(%arg20 : memref<!tpu.dma_semaphore, #tpu.memory_space<semaphore_mem>>)
    %dma_wait3A_207 = arith.constant 1 : i32
    %dma_wait3A_208 = arith.constant 61 : i32
    %dma_wait3A_209 = arith.constant 0 : i32
    %dma_wait3A_210 = arith.constant 0 : i32
    %dma_wait3A_211 = tpu.memref_slice %arg13[%dma_wait3A_207, %dma_wait3A_209, %dma_wait3A_210] : memref<4x16x768xf32, #tpu.memory_space<vmem>> -> memref<1x16x768xf32, #tpu.memory_space<vmem>>
    %dma_wait3A_212 = tpu.memref_squeeze %dma_wait3A_211 : memref<1x16x768xf32, #tpu.memory_space<vmem>> -> memref<16x768xf32, #tpu.memory_space<vmem>>
    %dma_wait3A_213 = arith.constant 0 : i32
    %dma_wait3A_214 = tpu.memref_slice %arg7[%dma_wait3A_208, %mul3A_2, %dma_wait3A_213] : memref<64x512x768xf32, #tpu.memory_space<hbm>> -> memref<1x16x768xf32, #tpu.memory_space<hbm>>
    %dma_wait3A_215 = tpu.memref_squeeze %dma_wait3A_214 : memref<1x16x768xf32, #tpu.memory_space<hbm>> -> memref<16x768xf32, #tpu.memory_space<hbm>>
    %dma_wait3A_216 = arith.constant 0 : i32
    %dma_wait3A_217 = tpu.memref_slice %arg7[%dma_wait3A_208, %mul3A_2, %dma_wait3A_216] : memref<64x512x768xf32, #tpu.memory_space<hbm>> -> memref<1x16x768xf32, #tpu.memory_space<hbm>>
    %dma_wait3A_218 = tpu.memref_squeeze %dma_wait3A_217 : memref<1x16x768xf32, #tpu.memory_space<hbm>> -> memref<16x768xf32, #tpu.memory_space<hbm>>
    %dma_wait3A_219 = arith.constant 0 : i32
    %dma_wait3A_220 = arith.constant 0 : i32
    %dma_wait3A_221 = tpu.memref_slice %arg13[%dma_wait3A_207, %dma_wait3A_219, %dma_wait3A_220] : memref<4x16x768xf32, #tpu.memory_space<vmem>> -> memref<1x16x768xf32, #tpu.memory_space<vmem>>
    %dma_wait3A_222 = tpu.memref_squeeze %dma_wait3A_221 : memref<1x16x768xf32, #tpu.memory_space<vmem>> -> memref<16x768xf32, #tpu.memory_space<vmem>>
    tpu.wait_dma2 semaphore(%arg19 : memref<!tpu.dma_semaphore, #tpu.memory_space<semaphore_mem>>) src(%dma_wait3A_222 : memref<16x768xf32, #tpu.memory_space<vmem>>) dst(%dma_wait3A_218 : memref<16x768xf32, #tpu.memory_space<hbm>>)
    %dma_wait3A_223 = arith.constant 3 : i32
    %dma_wait3A_224 = arith.constant 0 : i32
    %dma_wait3A_225 = arith.constant 0 : i32
    %dma_wait3A_226 = tpu.memref_slice %arg13[%dma_wait3A_223, %dma_wait3A_224, %dma_wait3A_225] : memref<4x16x768xf32, #tpu.memory_space<vmem>> -> memref<1x16x768xf32, #tpu.memory_space<vmem>>
    %dma_wait3A_227 = tpu.memref_squeeze %dma_wait3A_226 : memref<1x16x768xf32, #tpu.memory_space<vmem>> -> memref<16x768xf32, #tpu.memory_space<vmem>>
    %dma_wait3A_228 = arith.constant 1008 : i32
    %dma_wait3A_229 = tpu.memref_slice %arg8[%dma_wait3A_228] : memref<1024xi32, #tpu.memory_space<vmem>> -> memref<16xi32, #tpu.memory_space<vmem>>
    %dma_wait3A_230 = arith.constant 0 : i32
    %dma_wait3A_231 = arith.constant 0 : i32
    %dma_wait3A_232 = tpu.memref_slice %arg4[%dma_wait3A_230, %dma_wait3A_231] : memref<30522x768xf32, #tpu.memory_space<hbm>> -> memref<30522x768xf32, #tpu.memory_space<hbm>>
    tpu.wait_indirect_dma semaphore(%arg17 : memref<!tpu.dma_semaphore, #tpu.memory_space<semaphore_mem>>) src(%dma_wait3A_232 : memref<30522x768xf32, #tpu.memory_space<hbm>>) dst(%dma_wait3A_227 : memref<16x768xf32, #tpu.memory_space<vmem>>)
    %scan3A_233 = arith.constant 0 : i32
    %scan3A_234 = arith.constant 0 : i32
    %scan3A_235 = arith.constant 16 : i32
    %scan3A_236 = arith.addi %scan3A_234, %scan3A_235 : i32
    %scan3A_237 = arith.constant 1 : i32
    %scan3A_238 = scf.for %scan3A_288 = %scan3A_234 to %scan3A_236 step %scan3A_237 iter_args(%scan3A_289 = %scan3A_233) -> (i32)  : i32 {
      %add3A_290 = arith.constant 1008 : i32
      %add3A_291 = arith.addi %add3A_290, %scan3A_288 : i32
      %get3A = arith.index_cast %add3A_291 : i32 to index
      %get3A_292 = tpu.vector_load %arg9[%get3A] {strides = array<i32>} : memref<1040xi32, #tpu.memory_space<vmem>>, vector<16xi32>,
      %get3A_293 = vector.shape_cast %get3A_292 : vector<16xi32> to vector<16xi32>
      %slice3A = vector.extract_strided_slice %get3A_293 {offsets = [0], sizes = [1], strides = [1]} : vector<16xi32> to vector<1xi32>
      %squeeze3A = vector.extract %slice3A[0] : i32 from vector<1xi32>
      %mul3A_294 = arith.constant 16 : i32
      %mul3A_295 = arith.muli %squeeze3A, %mul3A_294 : i32
      %and3A = arith.constant 15 : i32
      %and3A_296 = arith.andi %scan3A_288, %and3A : i32
      %add3A_297 = arith.addi %mul3A_295, %and3A_296 : i32
      %parallel_loop3A = arith.constant 0 : i32
      %parallel_loop3A_298 = arith.constant 768 : i32
      %parallel_loop3A_299 = arith.constant 16 : i32
      scf.for %parallel_loop3A_301 = %parallel_loop3A to %parallel_loop3A_298 step %parallel_loop3A_299  : i32 {
        %parallel_loop3A_302 = arith.index_cast %add3A_297 : i32 to index
        %parallel_loop3A_303 = arith.index_cast %parallel_loop3A_301 : i32 to index
        %parallel_loop3A_304 = tpu.vector_load %arg12[%parallel_loop3A_302, %parallel_loop3A_303] {strides = array<i32>} : memref<48x768xf32, #tpu.memory_space<vmem>>, vector<1x16xf32>,
        %parallel_loop3A_305 = vector.shape_cast %parallel_loop3A_304 : vector<1x16xf32> to vector<16xf32>
        %parallel_loop3A_306 = arith.constant 3 : i32
        %parallel_loop3A_307 = arith.index_cast %parallel_loop3A_306 : i32 to index
        %parallel_loop3A_308 = arith.index_cast %scan3A_288 : i32 to index
        %parallel_loop3A_309 = arith.index_cast %parallel_loop3A_301 : i32 to index
        %parallel_loop3A_310 = tpu.vector_load %arg13[%parallel_loop3A_307, %parallel_loop3A_308, %parallel_loop3A_309] {strides = array<i32>} : memref<4x16x768xf32, #tpu.memory_space<vmem>>, vector<1x1x16xf32>,
        %parallel_loop3A_311 = vector.shape_cast %parallel_loop3A_310 : vector<1x1x16xf32> to vector<16xf32>
        %parallel_loop3A_312 = vector.shape_cast %parallel_loop3A_305 : vector<16xf32> to vector<1x1x16xf32>
        tpu.vector_store %arg13[%parallel_loop3A_307, %parallel_loop3A_308, %parallel_loop3A_309], %parallel_loop3A_312 {add = true, strides = array<i32>} : memref<4x16x768xf32, #tpu.memory_space<vmem>>, vector<1x1x16xf32>,
      } {sc.loop_unroll_factor = 8 : i64, sc.parallel_access}
      %scan3A_300 = arith.constant 0 : i32
      scf.yield %scan3A_300 : i32
    }
    %scan3A_239 = arith.constant 16 : i32
    %dma_start3A_240 = arith.constant 3 : i32
    %dma_start3A_241 = arith.constant 63 : i32
    %dma_start3A_242 = arith.constant 0 : i32
    %dma_start3A_243 = arith.constant 0 : i32
    %dma_start3A_244 = tpu.memref_slice %arg13[%dma_start3A_240, %dma_start3A_242, %dma_start3A_243] : memref<4x16x768xf32, #tpu.memory_space<vmem>> -> memref<1x16x768xf32, #tpu.memory_space<vmem>>
    %dma_start3A_245 = tpu.memref_squeeze %dma_start3A_244 : memref<1x16x768xf32, #tpu.memory_space<vmem>> -> memref<16x768xf32, #tpu.memory_space<vmem>>
    %dma_start3A_246 = arith.constant 0 : i32
    %dma_start3A_247 = tpu.memref_slice %arg7[%dma_start3A_241, %mul3A_2, %dma_start3A_246] : memref<64x512x768xf32, #tpu.memory_space<hbm>> -> memref<1x16x768xf32, #tpu.memory_space<hbm>>
    %dma_start3A_248 = tpu.memref_squeeze %dma_start3A_247 : memref<1x16x768xf32, #tpu.memory_space<hbm>> -> memref<16x768xf32, #tpu.memory_space<hbm>>
    %dma_start3A_249 = arith.constant 0 : i32
    %dma_start3A_250 = tpu.memref_slice %arg7[%dma_start3A_241, %mul3A_2, %dma_start3A_249] : memref<64x512x768xf32, #tpu.memory_space<hbm>> -> memref<1x16x768xf32, #tpu.memory_space<hbm>>
    %dma_start3A_251 = tpu.memref_squeeze %dma_start3A_250 : memref<1x16x768xf32, #tpu.memory_space<hbm>> -> memref<16x768xf32, #tpu.memory_space<hbm>>
    %dma_start3A_252 = arith.constant 0 : i32
    %dma_start3A_253 = arith.constant 0 : i32
    %dma_start3A_254 = tpu.memref_slice %arg13[%dma_start3A_240, %dma_start3A_252, %dma_start3A_253] : memref<4x16x768xf32, #tpu.memory_space<vmem>> -> memref<1x16x768xf32, #tpu.memory_space<vmem>>
    %dma_start3A_255 = tpu.memref_squeeze %dma_start3A_254 : memref<1x16x768xf32, #tpu.memory_space<vmem>> -> memref<16x768xf32, #tpu.memory_space<vmem>>
    tpu.enqueue_dma source(%dma_start3A_255 : memref<16x768xf32, #tpu.memory_space<vmem>>) target(%dma_start3A_251 : memref<16x768xf32, #tpu.memory_space<hbm>>) target_semaphore(%arg21 : memref<!tpu.dma_semaphore, #tpu.memory_space<semaphore_mem>>)
    %dma_wait3A_256 = arith.constant 2 : i32
    %dma_wait3A_257 = arith.constant 62 : i32
    %dma_wait3A_258 = arith.constant 0 : i32
    %dma_wait3A_259 = arith.constant 0 : i32
    %dma_wait3A_260 = tpu.memref_slice %arg13[%dma_wait3A_256, %dma_wait3A_258, %dma_wait3A_259] : memref<4x16x768xf32, #tpu.memory_space<vmem>> -> memref<1x16x768xf32, #tpu.memory_space<vmem>>
    %dma_wait3A_261 = tpu.memref_squeeze %dma_wait3A_260 : memref<1x16x768xf32, #tpu.memory_space<vmem>> -> memref<16x768xf32, #tpu.memory_space<vmem>>
    %dma_wait3A_262 = arith.constant 0 : i32
    %dma_wait3A_263 = tpu.memref_slice %arg7[%dma_wait3A_257, %mul3A_2, %dma_wait3A_262] : memref<64x512x768xf32, #tpu.memory_space<hbm>> -> memref<1x16x768xf32, #tpu.memory_space<hbm>>
    %dma_wait3A_264 = tpu.memref_squeeze %dma_wait3A_263 : memref<1x16x768xf32, #tpu.memory_space<hbm>> -> memref<16x768xf32, #tpu.memory_space<hbm>>
    %dma_wait3A_265 = arith.constant 0 : i32
    %dma_wait3A_266 = tpu.memref_slice %arg7[%dma_wait3A_257, %mul3A_2, %dma_wait3A_265] : memref<64x512x768xf32, #tpu.memory_space<hbm>> -> memref<1x16x768xf32, #tpu.memory_space<hbm>>
    %dma_wait3A_267 = tpu.memref_squeeze %dma_wait3A_266 : memref<1x16x768xf32, #tpu.memory_space<hbm>> -> memref<16x768xf32, #tpu.memory_space<hbm>>
    %dma_wait3A_268 = arith.constant 0 : i32
    %dma_wait3A_269 = arith.constant 0 : i32
    %dma_wait3A_270 = tpu.memref_slice %arg13[%dma_wait3A_256, %dma_wait3A_268, %dma_wait3A_269] : memref<4x16x768xf32, #tpu.memory_space<vmem>> -> memref<1x16x768xf32, #tpu.memory_space<vmem>>
    %dma_wait3A_271 = tpu.memref_squeeze %dma_wait3A_270 : memref<1x16x768xf32, #tpu.memory_space<vmem>> -> memref<16x768xf32, #tpu.memory_space<vmem>>
    tpu.wait_dma2 semaphore(%arg20 : memref<!tpu.dma_semaphore, #tpu.memory_space<semaphore_mem>>) src(%dma_wait3A_271 : memref<16x768xf32, #tpu.memory_space<vmem>>) dst(%dma_wait3A_267 : memref<16x768xf32, #tpu.memory_space<hbm>>)
    %dma_wait3A_272 = arith.constant 3 : i32
    %dma_wait3A_273 = arith.constant 63 : i32
    %dma_wait3A_274 = arith.constant 0 : i32
    %dma_wait3A_275 = arith.constant 0 : i32
    %dma_wait3A_276 = tpu.memref_slice %arg13[%dma_wait3A_272, %dma_wait3A_274, %dma_wait3A_275] : memref<4x16x768xf32, #tpu.memory_space<vmem>> -> memref<1x16x768xf32, #tpu.memory_space<vmem>>
    %dma_wait3A_277 = tpu.memref_squeeze %dma_wait3A_276 : memref<1x16x768xf32, #tpu.memory_space<vmem>> -> memref<16x768xf32, #tpu.memory_space<vmem>>
    %dma_wait3A_278 = arith.constant 0 : i32
    %dma_wait3A_279 = tpu.memref_slice %arg7[%dma_wait3A_273, %mul3A_2, %dma_wait3A_278] : memref<64x512x768xf32, #tpu.memory_space<hbm>> -> memref<1x16x768xf32, #tpu.memory_space<hbm>>
    %dma_wait3A_280 = tpu.memref_squeeze %dma_wait3A_279 : memref<1x16x768xf32, #tpu.memory_space<hbm>> -> memref<16x768xf32, #tpu.memory_space<hbm>>
    %dma_wait3A_281 = arith.constant 0 : i32
    %dma_wait3A_282 = tpu.memref_slice %arg7[%dma_wait3A_273, %mul3A_2, %dma_wait3A_281] : memref<64x512x768xf32, #tpu.memory_space<hbm>> -> memref<1x16x768xf32, #tpu.memory_space<hbm>>
    %dma_wait3A_283 = tpu.memref_squeeze %dma_wait3A_282 : memref<1x16x768xf32, #tpu.memory_space<hbm>> -> memref<16x768xf32, #tpu.memory_space<hbm>>
    %dma_wait3A_284 = arith.constant 0 : i32
    %dma_wait3A_285 = arith.constant 0 : i32
    %dma_wait3A_286 = tpu.memref_slice %arg13[%dma_wait3A_272, %dma_wait3A_284, %dma_wait3A_285] : memref<4x16x768xf32, #tpu.memory_space<vmem>> -> memref<1x16x768xf32, #tpu.memory_space<vmem>>
    %dma_wait3A_287 = tpu.memref_squeeze %dma_wait3A_286 : memref<1x16x768xf32, #tpu.memory_space<vmem>> -> memref<16x768xf32, #tpu.memory_space<vmem>>
    tpu.wait_dma2 semaphore(%arg21 : memref<!tpu.dma_semaphore, #tpu.memory_space<semaphore_mem>>) src(%dma_wait3A_287 : memref<16x768xf32, #tpu.memory_space<vmem>>) dst(%dma_wait3A_283 : memref<16x768xf32, #tpu.memory_space<hbm>>)
    return
  }
}

</mosaic_0001>

<sc_bundles>
// kernel: _bert_embed.3.cloned.1.call-start
scs
__scs_entry_jumppad:
0x0: {  	(pc) =	sbr.rel $0x88, $3  }
0x1: {  	(tag) =	ssettag $0x0;
	lr =	simm.s32 $0x1  }
0x2: {  	[smem:$0x3F9C] =	sst lr;
	_ =	strace $0xD0000000  }
0x3: {  	_ = 	snop  }
0x4: {  	_ = 	snop  }
0x5: {  	_ = 	snop  }
0x6: {  	_ = 	snop  }
0x7: {  	_ = 	snop  }
__scs_overlays_trampoline_lowered:
0x8: {  	[smem:$0x3FAB] =	sst s0  }
0x9: {  	[smem:$0x3FAC] =	sst s1  }
0xa: {  	[smem:$0x3FAD] =	sst s2  }
0xb: {  	[smem:$0x3FAE] =	sst s3  }
0xc: {  	[smem:$0x3FAF] =	sst s4  }
0xd: {  	[smem:$0x3FB0] =	sst s5  }
0xe: {  	[smem:$0x3FB1] =	sst s6  }
0xf: {  	[smem:$0x3FB2] =	sst s7  }
0x10: {  	[smem:$0x3FB3] =	sst s8  }
0x11: {  	[smem:$0x3FB4] =	sst s9;
	s0 =	simm.s32 @!p0 $0x0  }
0x12: {  	s1 =	sld [smem:$0x3F9A];
	s0 =	simm.s32 @p0 $0x1  }
0x13: {  	[smem:$0x3FB5] =	sst s0;
	s0 =	simm.s32 @!p1 $0x0  }
0x14: {  	s2 =	sld [smem:$0x3F99];
	s0 =	simm.s32 @p1 $0x1  }
0x15: {  	[smem:$0x3FB6] =	sst s0;
	s0 =	simm.s32 @!p2 $0x0  }
0x16: {  	s3 =	sld [smem:$0x3FDB];
	s0 =	simm.s32 @p2 $0x1  }
0x17: {  	s4 =	simm.s32 $0x1BF5;
	[smem:$0x3FB8] =	sst s0  }
0x18: {  	s0 =	sld [smem:$0x3F9B];
	_ =	swait.ge [sflag:s4], $0x0  }
0x19: {  	s7 =	sld [smem:$0x3F9C]  }
0x1a: {  	s8 =	sadd.s32 $0xFFFFE003, lr  }
0x1b: {  	s9 =	sadd.s32 $0xFFFFFEF7, lr;
	s5 =	simm.s32 $0xFFFFFFFF;
	p2 =	slt.u32 s8, $0xFFFFF086  }
0x1c: {  	p1 =	slt.u32 s9, $0xF7A;
	s5 =	simm.s32 @!p2 $0x0  }
0x1d: {  	s5 =	simm.s32 @p1 $0x1;
	p0 =	seq.s32 s7, s2  }
0x1e: {  	s7 =	smul.u32 @!p0 $0xF7A, s2;
	p2 =	seq.s32 @!p0 s5, $0x0  }
0x1f: {  	s9 =	smul.u32 $0xF7A, s1;
	s8 =	simm.s32 @!p0 $0x1BF5;
	p2 =	por !p2, p0  }
0x20: {  	[sflag:s8] =	ssyncset.s32 @!p0 $0xFFFFF086;
	s6 =	sadd.s32 @!p0 s3, s7;
	s7 =	simm.s32 @!p0 $0x108  }
0x21: {  	s3 =	sadd.s32 s3, s9;
	s6 =	sadd.s32 @!p0 $0x88, s6;
	s7 =	simm.s32 @p2 $0x1082  }
0x22: {  	[simem:s7], [sflag:s8] =	dma.local @!p0 [hbm:s6], $0xF7A  }
0x23: {  	s9 =	sor.u32 $0xD0000000, s2;
	s6 =	simm.s32 $0x108;
	_ =	swait.ge @!p0 [sflag:s8], $0x0  }
0x24: {  	s3 =	sadd.s32 $0x88, s3;
	s6 =	simm.s32 @!p1 $0x1082;
	[sflag:s4] =	ssyncset.s32 $0xFFFFF086  }
0x25: {  	[simem:s6], [sflag:s4] =	dma.local [hbm:s3], $0xF7A  }
0x26: {  	[smem:$0x3F9C] =	sst s1;
	(tag) =	ssettag s2;
	_ =	strace s9  }
0x27: {  	s1 =	sld [smem:$0x3FAC]  }
0x28: {  	s2 =	sld [smem:$0x3FAD]  }
0x29: {  	s4 =	sld [smem:$0x3FAF]  }
0x2a: {  	p0 =	seq.s32 s5, $0x0;
	s5 =	sld [smem:$0x3FB0]  }
0x2b: {  	s6 =	sld [smem:$0x3FB1]  }
0x2c: {  	s7 =	sld [smem:$0x3FB2]  }
0x2d: {  	s3 =	simm.s32 $0x108;
	s8 =	sld [smem:$0x3FB3]  }
0x2e: {  	s3 =	simm.s32 @!p0 $0x1082;
	s9 =	sld [smem:$0x3FB4]  }
0x2f: {  	lr =	sadd.s32 s0, s3;
	s0 =	sld [smem:$0x3FAB]  }
0x30: {  	s3 =	sld [smem:$0x3FAE]  }
0x31: {  	[smem:$0x3FB7] =	sst s10  }
0x32: {  	s10 =	sld [smem:$0x3FB5];
	_ =	sdelay $0x3  }
0x33: {  	p0 =	seq.s32 s10, $0x1;
	s10 =	sld [smem:$0x3FB7];
	_ =	sdelay $0x3  }
0x34: {  	[smem:$0x3FB7] =	sst s10  }
0x35: {  	s10 =	sld [smem:$0x3FB6];
	_ =	sdelay $0x3  }
0x36: {  	p1 =	seq.s32 s10, $0x1;
	s10 =	sld [smem:$0x3FB7];
	_ =	sdelay $0x3  }
0x37: {  	[smem:$0x3FB7] =	sst s10  }
0x38: {  	s10 =	sld [smem:$0x3FB8]  }
0x39: {  	_ = 	snop;
	(pc) =	sbr.ind lr, $3  }
0x3a: {  	_ = 	snop  }
0x3b: {  	_ = 	snop  }
0x3c: {  	p2 =	seq.s32 s10, $0x1;
	s10 =	sld [smem:$0x3FB7]  }
0x3d: {  	_ =	shalt  }
0x3e: {  	_ =	shalt  }
0x3f: {  	_ =	shalt  }
0x40: {  	_ =	shalt  }
0x41: {  	_ =	shalt  }
0x42: {  	_ =	shalt  }
0x43: {  	_ =	shalt  }
0x44: {  	_ =	shalt  }
0x45: {  	_ =	shalt  }
0x46: {  	_ =	shalt  }
0x47: {  	_ =	shalt  }
0x48: {  	_ =	shalt  }
0x49: {  	_ =	shalt  }
0x4a: {  	_ =	shalt  }
0x4b: {  	_ =	shalt  }
0x4c: {  	_ =	shalt  }
0x4d: {  	_ =	shalt  }
0x4e: {  	_ =	shalt  }
0x4f: {  	_ =	shalt  }
0x50: {  	_ =	shalt  }
0x51: {  	_ =	shalt  }
0x52: {  	_ =	shalt  }
0x53: {  	_ =	shalt  }
0x54: {  	_ =	shalt  }
0x55: {  	_ =	shalt  }
0x56: {  	_ =	shalt  }
0x57: {  	_ =	shalt  }
0x58: {  	_ =	shalt  }
0x59: {  	_ =	shalt  }
0x5a: {  	_ =	shalt  }
0x5b: {  	_ =	shalt  }
0x5c: {  	_ =	shalt  }
0x5d: {  	_ =	shalt  }
0x5e: {  	_ =	shalt  }
0x5f: {  	_ =	shalt  }
0x60: {  	_ =	shalt  }
0x61: {  	_ =	shalt  }
0x62: {  	_ =	shalt  }
0x63: {  	_ =	shalt  }
0x64: {  	_ =	shalt  }
0x65: {  	_ =	shalt  }
0x66: {  	_ =	shalt  }
0x67: {  	_ =	shalt  }
0x68: {  	_ =	shalt  }
0x69: {  	_ =	shalt  }
0x6a: {  	_ =	shalt  }
0x6b: {  	_ =	shalt  }
0x6c: {  	_ =	shalt  }
0x6d: {  	_ =	shalt  }
0x6e: {  	_ =	shalt  }
0x6f: {  	_ =	shalt  }
0x70: {  	_ =	shalt  }
0x71: {  	_ =	shalt  }
0x72: {  	_ =	shalt  }
0x73: {  	_ =	shalt  }
0x74: {  	_ =	shalt  }
0x75: {  	_ =	shalt  }
0x76: {  	_ =	shalt  }
0x77: {  	_ =	shalt  }
0x78: {  	_ =	shalt  }
0x79: {  	_ =	shalt  }
0x7a: {  	_ =	shalt  }
0x7b: {  	_ =	shalt  }
0x7c: {  	_ =	shalt  }
0x7d: {  	_ =	shalt  }
0x7e: {  	_ =	shalt  }
0x7f: {  	_ =	shalt  }
0x80: {  	_ =	shalt  }
0x81: {  	_ =	shalt  }
0x82: {  	_ =	shalt  }
0x83: {  	_ =	shalt  }
0x84: {  	_ =	shalt  }
0x85: {  	_ =	shalt  }
0x86: {  	_ =	shalt  }
0x87: {  	_ =	shalt  }
.Lfunc_end0:
.L_simem_size_0:
called_computation_lowered:
.L_overlay_start_0:
0x88: {  	s2 =	sld [smem:$0x3FD9]  }
0x89: {  	s3 =	sld [smem:$0x3FFE];
	_ =	sdelay $0x1  }
0x8a: {  	s1 =	srdreg.scid  }
0x8b: {  	s0 =	sand.u32 $0x1, s1  }
0x8c: {  	s17 =	sshll.u32 s0, $0xA;
	s2 =	sadd.s32 s3, s2  }
0x8d: {  	s2 =	sadd.s32 s2, s17  }
0x8e: {  	[smem:$0x3FC3] =	sst s2  }
0x8f: {  	_ = 	snop  }
0x90: {  	s2 =	sld [smem:$0x3FC7]  }
0x91: {  	s18 =	sld [smem:$0x3FC5]  }
0x92: {  	s4 =	sld [smem:$0x3FD0];
	(tm) =	ssettm $0x1  }
0x93: {  	s5 =	sld [smem:$0x3FFB];
	_ =	sdelay $0x3  }
0x94: {  	_ =	strace s5  }
0x95: {  	s5 =	sld [smem:$0x3FFC];
	_ =	sdelay $0x3  }
0x96: {  	_ =	strace s5  }
0x97: {  	s5 =	sld [smem:$0x3FFD];
	_ =	sdelay $0x3  }
0x98: {  	_ =	strace s5  }
0x99: {  	_ =	strace $0x8FFFFFFF  }
0x9a: {  	s19 =	sld [smem:$0x3FDB];
	_ =	sdelay $0x1  }
0x9b: {  	s6 =	simm.s32 $_scs_section_size  }
0x9c: {  	s7 =	simm.s32 $_size__tile_overlayer_lowered;
	s8 =	simm.s32 $_tile_overlayer_lowered  }
0x9d: {  	s22 =	simm.s32 $0x1BFF;
	s21 =	sshll.u32 s8, $0x1;
	s5 =	sadd.s32 s6, s19  }
0x9e: {  	s9 =	simm.s32 $0x0;
	s20 =	sshll.u32 s7, $0x1;
	s7 =	sadd.s32 s21, s5  }
0x9f: {  	[timem:s9], [sflag:s22] =	dma.local [hbm:s7], s20  }
0xa0: {  	_ =	swait.ge [sflag:s22], s20  }
0xa1: {  	s6 =	ssub.s32 $0x0, s20;
	[sflag:s22] =	ssyncset.done $0x0  }
0xa2: {  	[sflag:s22] =	ssyncadd.s32 s6;
	_ =	sdelay $0x1  }
0xa3: {  	s23 =	simm.s32 $0x1B8B  }
0xa4: {  	_ =	swait.ge [sflag:s23], $0x1  }
0xa5: {  	[sflag:s23] =	ssyncset.done $0x0  }
0xa6: {  	s25 =	simm.s32 $0x1B8E;
	s24 =	sld [smem:$0x3FFE];
	[sflag:s23] =	ssyncadd.s32 $0xFFFFFFFF  }
0xa7: {  	s26 =	simm.s32 $execute0_lowered;
	[smem:$0x3FD2] =	sst s25  }
0xa8: {  	s7 =	sshll.u32 s26, $0x1;
	_ =	strace $0x80000046;
	[dreg:$0x1] =	wrdreg $0xFFFFFFFF  }
0xa9: {  	s28 =	simm.s32 $_size_execute0_lowered;
	s5 =	sadd.s32 s5, s7;
	[dreg:$0x0] =	wrdreg $0x0  }
0xaa: {  	s7 =	sshll.u32 s28, $0x1;
	[dreg:$0x2] =	wrdreg s5  }
0xab: {  	[dreg:$0x3] =	wrdreg s7  }
0xac: {  	[dreg:$0x4] =	wrdreg $0xC0  }
0xad: {  	_ =	task [dreg:s9], $0x5FFFF  }
0xae: {  	[dreg:$0x1] =	wrdreg $0xFFFFFFFF  }
0xaf: {  	[dreg:$0x0] =	wrdreg $0x60  }
0xb0: {  	[dreg:$0x2] =	wrdreg s24  }
0xb1: {  	[dreg:$0x3] =	wrdreg s2  }
0xb2: {  	[dreg:$0x4] =	wrdreg s18  }
0xb3: {  	[dreg:$0x5] =	wrdreg s4  }
0xb4: {  	[dreg:$0x6] =	wrdreg $0x9  }
0xb5: {  	_ =	task.clear_ibuf [dreg:s9], $0x7FFFF;
	_ =	strace $0x90000046  }
0xb6: {  	s29 =	simm.s32 $0x9;
	_ =	strace $0x80000048  }
0xb7: {  	_ =	swait.ge [sflag:s29], $0x1  }
0xb8: {  	[sflag:s29] =	ssyncadd.s32 $0xFFFFFFFF  }
0xb9: {  	_ =	strace $0x90000048  }
0xba: {  	_ =	sfence  }
0xbb: {  	s30 =	sld [smem:$0x0];
	_ =	sdelay $0x2  }
0xbc: {  	s31 =	sshll.u32 s1, $0xD;
	s1 =	sshrl.u32 s1, $0x2  }
0xbd: {  	s3 =	sand.u32 $0x4000, s31;
	s1 =	sadd.s32 s1, s30  }
0xbe: {  	s0 =	sor.u32 s3, s0;
	s1 =	sshll.u32 s1, $0x11  }
0xbf: {  	s0 =	sor.u32 s1, s0  }
0xc0: {  	s0 =	sadd.s32 $0x8F2B, s0  }
0xc1: {  	[sflag:s0] =	ssyncadd.remote.s32 $0x1  }
0xc2: {  	_ =	sfence.sel $0xFFFF  }
0xc3: {  	[dreg:$0x0] =	wrdreg $0xFFFFFFFF;
	(pc) =	sbr.abs _section_cstart, $3  }
0xc4: {  	[dreg:$0x1] =	wrdreg $0xFFFFFFFF  }
0xc5: {  	_ =	task.clear_ibuf [dreg:s9], $0x2FFFF;
	_ =	strace $0x9FFFFFFF  }
0xc6: {  	(tm) =	ssettm $0x7FFFFFFF  }
0xc7: {  	_ =	shalt  }
tec
execute0_lowered:
.L_overlay_start_1:
0x0: {  	(tag) =	ssettag $0x1  }
0x1: {  	s0 =	rddreg [dreg:$0x0]  }
0x2: {  	s1 =	rddreg [dreg:$0x1]  }
0x3: {  	s2 =	rddreg [dreg:$0x2]  }
0x4: {  	s3 =	rddreg [dreg:$0x3];
	s13 =	simm.s32 $0x0  }
0x5: {  	s5 =	srdreg.scid;
	s4 =	stileid.u32;
	s28 =	simm.s32 $0x11080  }
0x6: {  	s18 =	simm.s32 $0x5;
	s15 =	simm.s32 $0x1;
	s16 =	simm.s32 $0x17080  }
0x7: {  	s29 =	simm.s32 $0x4;
	s5 =	sand.u32 $0x1, s5;
	s6 =	sshll.u32 s4, $0x1  }
0x8: {  	s30 =	simm.s32 $0x8;
	[smem:$0x7FF] =	sst s13;
	s6 =	sor.u32 s5, s6  }
0x9: {  	_ =	strace $0x80000047;
	s7 =	ssub.s32 $0x2, s5;
	s8 =	sshll.u32 s6, $0x7  }
0xa: {  	s9 =	sshrl.u32 s7, $0x1;
	s19 =	sadd.s32 s8, s0;
	s0 =	sadd.s32 $0x2400, s0  }
0xb: {  	s5 =	smul.u32 $0x3000, s6;
	[dreg:$0x5] =	wrdreg s0;
	s21 =	sadd.s32 $0x1400, s19  }
0xc: {  	s20 =	ssub.s32 s7, s9;
	s22 =	sadd.s32 $0x400, s19;
	[dreg:$0x6] =	wrdreg s21  }
0xd: {  	s23 =	sshrl.u32 s5, $0x3;
	s0 =	smax.u32 s20, $0x1;
	[dreg:$0x7] =	wrdreg s22  }
0xe: {  	s31 =	simm.s32 $0x0;
	s2 =	sadd.s32 s2, s23;
	[dreg:$0xd] =	wrdreg s0  }
0xf: {  	s10 =	sadd.s32 $0x100, s1;
	s24 =	sadd.s32 s3, s23;
	[dreg:$0x8] =	wrdreg s2  }
0x10: {  	s12 =	sadd.s32 $0x200, s1;
	s25 =	sadd.s32 $0xC000, s24;
	[dreg:$0x9] =	wrdreg s24  }
0x11: {  	s6 =	simm.s32 $0x14080;
	s26 =	sadd.s32 $0x2E8000, s24;
	[dreg:$0xa] =	wrdreg s25  }
0x12: {  	v2 =	vlaneseq.u32;
	s19 =	simm.s32 $0x6;
	s2 =	sadd.s32 $0x2F4000, s24;
	[dreg:$0xb] =	wrdreg s26  }
0x13: {  	vm0 =	vmmov $0xffff;
	v1 =	vshrl.u32 v2, $0x3;
	s20 =	simm.s32 $0x7;
	s21 =	simm.s32 $0xE080;
	[dreg:$0xc] =	wrdreg s2  }
0x14: {  	v0 =	vand.u32 $0x7, v2;
	v2 =	vor.u32 $0x8, v2;
	v1 =	vmul.u32 $0x8, v1;
	s25 =	simm.s32 $0x2;
	s26 =	simm.s32 $0x3;
	s2 =	simm.s32 $0x0  }
.LBB2_1:
0x15: {  	[dreg:$0xe] =	wrdreg s2  }
0x16: {  	s0 =	rddreg [dreg:$0x6];
	s9 =	simm.s32 $0x9  }
0x17: {  	[tilespmem:s13], [sflag:$0x9] =	stream.linear.gather [hbm4b:s0+s13], $0x400, $0x38;
	[tilespmem:$0x1A080] =	vst v63  }
0x18: {  	_ =	swait.ge [sflag:s9], $0x400  }
0x19: {  	[sflag:s9] =	ssyncset.done $0x0  }
0x1a: {  	s14 =	simm.s32 $0x400;
	s11 =	rddreg [dreg:$0x7];
	[sflag:s9] =	ssyncadd.s32 $0xFFFFFC00  }
0x1b: {  	[tilespmem:s14], [sflag:$0x5] =	stream.linear.gather [hbm4b:s11+s13], $0x400, $0x38;
	[tilespmem:$0x1A080] =	vst v63  }
0x1c: {  	s22 =	simm.s32 $0x3880;
	s17 =	rddreg [dreg:$0x5]  }
0x1d: {  	[tilespmem:s22], [sflag:$0x6] =	stream.linear.gather [hbm4b:s17+s13], $0x1800, $0x38;
	[tilespmem:$0x1A080] =	vst v63  }
0x1e: {  	s24 =	simm.s32 $0x880;
	s23 =	rddreg [dreg:$0x8]  }
0x1f: {  	[tilespmem:s24], [sflag:$0x7] =	stream.linear.gather [hbm4b:s23+s13], $0x3000, $0x38;
	[tilespmem:$0x1A080] =	vst v63  }
0x20: {  	v3 =	vld [tilespmem:$0x0];
	_ =	sdelay $0x4  }
0x21: {  	v4 =	vshrl.u32 v3, $0x3  }
0x22: {  	v4 =	vmul.u32 $0x30, v4  }
0x23: {  	v3 =	vand.u32 $0x7, v3  }
0x24: {  	v3 =	vor.u32 v3, v4  }
0x25: {  	v4 =	vperm.xlane v3, v0;
	_ =	sdelay $0x1  }
0x26: {  	v4 =	vadd.s32 v1, v4;
	_ =	sdelay $0x3  }
0x27: {  	v3 =	vperm.xlane v3, v2  }
0x28: {  	[tilespmem:s21], [sflag:$0x1] =	stream.indirect_vreg.gather [hbm4b:s1+s13], $0x80, v4, vm0, $0xb8;
	[tilespmem:$0x1A080] =	vst v63  }
0x29: {  	s4 =	simm.s32 $0xE880;
	v3 =	vadd.s32 v1, v3  }
0x2a: {  	[tilespmem:s4], [sflag:$0x1] =	stream.indirect_vreg.gather [hbm4b:s10+s13], $0x80, v4, vm0, $0xb8;
	[tilespmem:$0x1A080] =	vst v63  }
0x2b: {  	s7 =	simm.s32 $0xF080  }
0x2c: {  	[tilespmem:s7], [sflag:$0x1] =	stream.indirect_vreg.gather [hbm4b:s12+s13], $0x80, v4, vm0, $0xb8;
	[tilespmem:$0x1A080] =	vst v63  }
0x2d: {  	s8 =	simm.s32 $0xF880  }
0x2e: {  	[tilespmem:s8], [sflag:$0x1] =	stream.indirect_vreg.gather [hbm4b:s1+s13], $0x80, v3, vm0, $0xb8;
	[tilespmem:$0x1A080] =	vst v63  }
0x2f: {  	s9 =	simm.s32 $0x10080  }
0x30: {  	[tilespmem:s9], [sflag:$0x1] =	stream.indirect_vreg.gather [hbm4b:s10+s13], $0x80, v3, vm0, $0xb8;
	[tilespmem:$0x1A080] =	vst v63  }
0x31: {  	s11 =	simm.s32 $0x10880  }
0x32: {  	[tilespmem:s11], [sflag:$0x1] =	stream.indirect_vreg.gather [hbm4b:s12+s13], $0x80, v3, vm0, $0xb8;
	[tilespmem:$0x1A080] =	vst v63  }
0x33: {  	v3 =	vld [tilespmem:$0x10];
	_ =	sdelay $0x4  }
0x34: {  	v63 =	vshrl.u32 v3, $0x3  }
0x35: {  	v4 =	vmul.u32 $0x30, v63  }
0x36: {  	v3 =	vand.u32 $0x7, v3  }
0x37: {  	v3 =	vor.u32 v3, v4  }
0x38: {  	v4 =	vperm.xlane v3, v0;
	_ =	sdelay $0x1  }
0x39: {  	v4 =	vadd.s32 v1, v4;
	_ =	sdelay $0x3  }
0x3a: {  	v3 =	vperm.xlane v3, v2  }
0x3b: {  	[tilespmem:s28], [sflag:$0x2] =	stream.indirect_vreg.gather [hbm4b:s1+s13], $0x80, v4, vm0, $0xb8;
	[tilespmem:$0x1A080] =	vst v63  }
0x3c: {  	s14 =	simm.s32 $0x11880;
	v3 =	vadd.s32 v1, v3  }
0x3d: {  	[tilespmem:s14], [sflag:$0x2] =	stream.indirect_vreg.gather [hbm4b:s10+s13], $0x80, v4, vm0, $0xb8;
	[tilespmem:$0x1A080] =	vst v63  }
0x3e: {  	s17 =	simm.s32 $0x12080  }
0x3f: {  	[tilespmem:s17], [sflag:$0x2] =	stream.indirect_vreg.gather [hbm4b:s12+s13], $0x80, v4, vm0, $0xb8;
	[tilespmem:$0x1A080] =	vst v63  }
0x40: {  	s22 =	simm.s32 $0x12880  }
0x41: {  	[tilespmem:s22], [sflag:$0x2] =	stream.indirect_vreg.gather [hbm4b:s1+s13], $0x80, v3, vm0, $0xb8;
	[tilespmem:$0x1A080] =	vst v63  }
0x42: {  	s23 =	simm.s32 $0x13080  }
0x43: {  	[tilespmem:s23], [sflag:$0x2] =	stream.indirect_vreg.gather [hbm4b:s10+s13], $0x80, v3, vm0, $0xb8;
	[tilespmem:$0x1A080] =	vst v63  }
0x44: {  	s24 =	simm.s32 $0x13880  }
0x45: {  	[tilespmem:s24], [sflag:$0x2] =	stream.indirect_vreg.gather [hbm4b:s12+s13], $0x80, v3, vm0, $0xb8;
	[tilespmem:$0x1A080] =	vst v63  }
0x46: {  	_ =	swait.ge [sflag:s18], $0x400  }
0x47: {  	[sflag:s18] =	ssyncset.done $0x0  }
0x48: {  	[sflag:s18] =	ssyncadd.s32 $0xFFFFFC00  }
0x49: {  	_ =	swait.ge [sflag:s19], $0x1800  }
0x4a: {  	[sflag:s19] =	ssyncset.done $0x0  }
0x4b: {  	[sflag:s19] =	ssyncadd.s32 $0xFFFFE800  }
0x4c: {  	_ =	swait.ge [sflag:s20], $0x3000  }
0x4d: {  	[sflag:s20] =	ssyncset.done $0x0  }
0x4e: {  	s2 =	simm.s32 $0x0;
	s0 =	simm.s32 $0x0;
	[sflag:s20] =	ssyncadd.s32 $0xFFFFD000  }
.LBB2_2:
0x4f: {  	s7 =	sshrl.u32 s2, $0x3  }
0x50: {  	s8 =	sand.u32 $0x7, s0;
	s7 =	smul.u32 $0x6000, s7  }
0x51: {  	s8 =	sshll.u32 s8, $0x9  }
0x52: {  	s7 =	sor.u32 s8, s7  }
0x53: {  	s8 =	sshra.s32 s7, $0x2;
	s7 =	simm.s32 $0x38C0  }
0x54: {  	v5 =	vld [tilespmem:s7+$0x30]  }
0x55: {  	v3 =	vld [tilespmem:s7+$0xFFFFFFC0]  }
0x56: {  	v7 =	vld [tilespmem:s7+$0xFFFFFFD0]  }
0x57: {  	v9 =	vld [tilespmem:s7+$0xFFFFFFE0]  }
0x58: {  	s11 =	sadd.s32 $0x8C0, s8;
	v11 =	vld [tilespmem:s7+$0xFFFFFFF0]  }
0x59: {  	v4 =	vld [tilespmem:s11+$0x30]  }
0x5a: {  	v6 =	vld [tilespmem:s11+$0xFFFFFFD0]  }
0x5b: {  	v8 =	vld [tilespmem:s11+$0xFFFFFFE0]  }
0x5c: {  	v10 =	vld [tilespmem:s11+$0xFFFFFFF0]  }
0x5d: {  	v13 =	vld [tilespmem:s7+$0x0]  }
0x5e: {  	v12 =	vld [tilespmem:s11+$0x0];
	v5 =	vadd.f32 v5, v4  }
0x5f: {  	s8 =	sadd.s32 $0x50C0, s8;
	v7 =	vadd.f32 v7, v6;
	v4 =	vld [tilespmem:s11+$0x10]  }
0x60: {  	v8 =	vadd.f32 v9, v8;
	v6 =	vld [tilespmem:s7+$0x10];
	[tilespmem:s8+$0x30] =	vst v5  }
0x61: {  	v9 =	vadd.f32 v11, v10;
	[tilespmem:s8+$0xFFFFFFD0] =	vst v7;
	v5 =	vld [tilespmem:s11+$0x20]  }
0x62: {  	[tilespmem:s8+$0xFFFFFFE0] =	vst v8;
	v8 =	vld [tilespmem:s7+$0x20]  }
0x63: {  	s9 =	simm.s32 $0x0;
	v7 =	vld [tilespmem:s11+$0xFFFFFFC0];
	[tilespmem:s8+$0xFFFFFFF0] =	vst v9;
	v9 =	vadd.f32 v13, v12;
	s11 =	sadd.s32 $0x400, s11  }
.LBB2_3:
0x64: {  	v10 =	vld [tilespmem:s11+$0x30];
	s7 =	sadd.s32 $0x400, s7  }
0x65: {  	s9 =	sadd.s32 $0x80, s9;
	v11 =	vld [tilespmem:s7+$0x30];
	[tilespmem:s8+$0x0] =	vst v9;
	v4 =	vadd.f32 v6, v4  }
0x66: {  	p0 =	slt.u32 s9, $0x280;
	v6 =	vld [tilespmem:s7+$0xFFFFFFC0]  }
0x67: {  	v9 =	vld [tilespmem:s11+$0xFFFFFFD0];
	[tilespmem:s8+$0x10] =	vst v4;
	v4 =	vadd.f32 v8, v5  }
0x68: {  	v5 =	vld [tilespmem:s7+$0xFFFFFFD0];
	v12 =	vadd.f32 v3, v7  }
0x69: {  	v7 =	vld [tilespmem:s11+$0xFFFFFFE0];
	[tilespmem:s8+$0x20] =	vst v4  }
0x6a: {  	v4 =	vld [tilespmem:s7+$0xFFFFFFE0];
	v8 =	vadd.f32 v11, v10;
	[tilespmem:s8+$0xFFFFFFC0] =	vst v12  }
0x6b: {  	s8 =	sadd.s32 $0x400, s8;
	v10 =	vld [tilespmem:s11+$0xFFFFFFF0];
	v3 =	vmov v6  }
0x6c: {  	v11 =	vld [tilespmem:s7+$0xFFFFFFF0];
	[tilespmem:s8+$0x30] =	vst v8  }
0x6d: {  	v5 =	vadd.f32 v5, v9;
	v9 =	vld [tilespmem:s11+$0x0]  }
0x6e: {  	v12 =	vld [tilespmem:s7+$0x0]  }
.Ltmp0:
0x6f: {  	[tilespmem:s8+$0xFFFFFFD0] =	vst v5;
	v5 =	vadd.f32 v4, v7;
	v4 =	vld [tilespmem:s11+$0x10];
	(pc) =	sbr.rel @p0 .LBB2_3-.Ltmp0, $4  }
0x70: {  	v6 =	vld [tilespmem:s7+$0x10]  }
0x71: {  	[tilespmem:s8+$0xFFFFFFE0] =	vst v5;
	v10 =	vadd.f32 v11, v10;
	v5 =	vld [tilespmem:s11+$0x20]  }
0x72: {  	v8 =	vld [tilespmem:s7+$0x20]  }
0x73: {  	v7 =	vld [tilespmem:s11+$0xFFFFFFC0];
	[tilespmem:s8+$0xFFFFFFF0] =	vst v10;
	v9 =	vadd.f32 v12, v9;
	s11 =	sadd.s32 $0x400, s11  }
0x74: {  	s2 =	sadd.s32 $0x1, s2  }
0x75: {  	p0 =	sne.s32 s2, $0x10  }
.Ltmp1:
0x76: {  	v4 =	vadd.f32 v6, v4;
	(pc) =	sbr.rel @p0 .LBB2_2-.Ltmp1, $4  }
0x77: {  	[tilespmem:s8+$0x0] =	vst v9;
	v5 =	vadd.f32 v8, v5  }
0x78: {  	[tilespmem:s8+$0x10] =	vst v4;
	v3 =	vadd.f32 v3, v7  }
0x79: {  	[tilespmem:s8+$0x20] =	vst v5  }
0x7a: {  	s0 =	sadd.s32 $0x1, s0;
	[tilespmem:s8+$0xFFFFFFC0] =	vst v3  }
0x7b: {  	s2 =	simm.s32 $0x0;
	s8 =	simm.s32 $0x0  }
.LBB2_6:
0x7c: {  	s0 =	sshrl.u32 s8, $0x3  }
0x7d: {  	s7 =	sand.u32 $0x7, s2;
	s0 =	smul.u32 $0x6000, s0  }
0x7e: {  	s7 =	sshll.u32 s7, $0x9  }
0x7f: {  	s0 =	sor.u32 s7, s0  }
0x80: {  	s7 =	sshra.s32 s0, $0x2;
	s0 =	simm.s32 $0x3970  }
0x81: {  	v5 =	vld [tilespmem:s0+$0x0]  }
0x82: {  	v3 =	vld [tilespmem:s0+$0xFFFFFF90]  }
0x83: {  	v7 =	vld [tilespmem:s0+$0xFFFFFFA0]  }
0x84: {  	v9 =	vld [tilespmem:s0+$0xFFFFFFB0]  }
0x85: {  	s11 =	sadd.s32 $0x8C0, s7;
	v11 =	vld [tilespmem:s0+$0xFFFFFFC0]  }
0x86: {  	v4 =	vld [tilespmem:s11+$0x30]  }
0x87: {  	v6 =	vld [tilespmem:s11+$0xFFFFFFD0]  }
0x88: {  	v8 =	vld [tilespmem:s11+$0xFFFFFFE0]  }
0x89: {  	v10 =	vld [tilespmem:s11+$0xFFFFFFF0]  }
0x8a: {  	v13 =	vld [tilespmem:s0+$0xFFFFFFD0]  }
0x8b: {  	v12 =	vld [tilespmem:s11+$0x0];
	v5 =	vadd.f32 v5, v4  }
0x8c: {  	s7 =	sadd.s32 $0x80F0, s7;
	v7 =	vadd.f32 v7, v6;
	v4 =	vld [tilespmem:s11+$0x10]  }
0x8d: {  	v8 =	vadd.f32 v9, v8;
	v6 =	vld [tilespmem:s0+$0xFFFFFFE0];
	[tilespmem:s7+$0x0] =	vst v5  }
0x8e: {  	v9 =	vadd.f32 v11, v10;
	[tilespmem:s7+$0xFFFFFFA0] =	vst v7;
	v5 =	vld [tilespmem:s11+$0x20]  }
0x8f: {  	[tilespmem:s7+$0xFFFFFFB0] =	vst v8;
	v8 =	vld [tilespmem:s0+$0xFFFFFFF0]  }
0x90: {  	s9 =	simm.s32 $0x0;
	v7 =	vld [tilespmem:s11+$0xFFFFFFC0];
	[tilespmem:s7+$0xFFFFFFC0] =	vst v9;
	v9 =	vadd.f32 v13, v12;
	s11 =	sadd.s32 $0x400, s11  }
.LBB2_7:
0x91: {  	v10 =	vld [tilespmem:s11+$0x30];
	s0 =	sadd.s32 $0x400, s0  }
0x92: {  	s9 =	sadd.s32 $0x80, s9;
	v11 =	vld [tilespmem:s0+$0x0];
	[tilespmem:s7+$0xFFFFFFD0] =	vst v9;
	v4 =	vadd.f32 v6, v4  }
0x93: {  	p0 =	slt.u32 s9, $0x280;
	v6 =	vld [tilespmem:s0+$0xFFFFFF90]  }
0x94: {  	v9 =	vld [tilespmem:s11+$0xFFFFFFD0];
	[tilespmem:s7+$0xFFFFFFE0] =	vst v4;
	v4 =	vadd.f32 v8, v5  }
0x95: {  	v5 =	vld [tilespmem:s0+$0xFFFFFFA0];
	v12 =	vadd.f32 v3, v7  }
0x96: {  	v7 =	vld [tilespmem:s11+$0xFFFFFFE0];
	[tilespmem:s7+$0xFFFFFFF0] =	vst v4  }
0x97: {  	v4 =	vld [tilespmem:s0+$0xFFFFFFB0];
	v8 =	vadd.f32 v11, v10;
	[tilespmem:s7+$0xFFFFFF90] =	vst v12  }
0x98: {  	s7 =	sadd.s32 $0x400, s7;
	v10 =	vld [tilespmem:s11+$0xFFFFFFF0];
	v3 =	vmov v6  }
0x99: {  	v11 =	vld [tilespmem:s0+$0xFFFFFFC0];
	[tilespmem:s7+$0x0] =	vst v8  }
0x9a: {  	v5 =	vadd.f32 v5, v9;
	v9 =	vld [tilespmem:s11+$0x0]  }
0x9b: {  	v12 =	vld [tilespmem:s0+$0xFFFFFFD0]  }
.Ltmp2:
0x9c: {  	[tilespmem:s7+$0xFFFFFFA0] =	vst v5;
	v5 =	vadd.f32 v4, v7;
	v4 =	vld [tilespmem:s11+$0x10];
	(pc) =	sbr.rel @p0 .LBB2_7-.Ltmp2, $4  }
0x9d: {  	v6 =	vld [tilespmem:s0+$0xFFFFFFE0]  }
0x9e: {  	[tilespmem:s7+$0xFFFFFFB0] =	vst v5;
	v10 =	vadd.f32 v11, v10;
	v5 =	vld [tilespmem:s11+$0x20]  }
0x9f: {  	v8 =	vld [tilespmem:s0+$0xFFFFFFF0]  }
0xa0: {  	v7 =	vld [tilespmem:s11+$0xFFFFFFC0];
	[tilespmem:s7+$0xFFFFFFC0] =	vst v10;
	v9 =	vadd.f32 v12, v9;
	s11 =	sadd.s32 $0x400, s11  }
0xa1: {  	s8 =	sadd.s32 $0x1, s8  }
0xa2: {  	p0 =	sne.s32 s8, $0x10  }
.Ltmp3:
0xa3: {  	v4 =	vadd.f32 v6, v4;
	(pc) =	sbr.rel @p0 .LBB2_6-.Ltmp3, $4  }
0xa4: {  	[tilespmem:s7+$0xFFFFFFD0] =	vst v9;
	v5 =	vadd.f32 v8, v5  }
0xa5: {  	[tilespmem:s7+$0xFFFFFFE0] =	vst v4;
	v3 =	vadd.f32 v3, v7  }
0xa6: {  	[tilespmem:s7+$0xFFFFFFF0] =	vst v5  }
0xa7: {  	s2 =	sadd.s32 $0x1, s2;
	s0 =	simm.s32 $0x0;
	[tilespmem:s7+$0xFFFFFF90] =	vst v3;
	s7 =	simm.s32 $0x0  }
.LBB2_9:
0xa8: {  	s2 =	sshrl.u32 s7, $0x3  }
0xa9: {  	s8 =	sand.u32 $0x7, s0;
	s2 =	smul.u32 $0x6000, s2  }
0xaa: {  	s8 =	sshll.u32 s8, $0x9  }
0xab: {  	s2 =	sor.u32 s8, s2  }
0xac: {  	s8 =	sshra.s32 s2, $0x2  }
0xad: {  	s2 =	sadd.s32 $0x8C0, s8  }
0xae: {  	v4 =	vmov s2;
	s2 =	simm.s32 $0x0  }
0xaf: {  	v12 =	vld [tilespmem:s2+$0x39F0]  }
0xb0: {  	v17 =	vld [tilespmem:s2+$0x3980]  }
0xb1: {  	v15 =	vld [tilespmem:s2+$0x3990]  }
0xb2: {  	v14 =	vld [tilespmem:s2+$0x39A0]  }
0xb3: {  	v13 =	vld [tilespmem:s2+$0x39B0]  }
0xb4: {  	v11 =	vld.idx.msk [tilespmem:v4+s2+$0x30 ss:$0x1], $0xffff  }
0xb5: {  	v16 =	vld.idx.msk [tilespmem:v4+s2+$0xFFFFFFC0 ss:$0x1], $0xffff  }
0xb6: {  	v10 =	vld.idx.msk [tilespmem:v4+s2+$0xFFFFFFD0 ss:$0x1], $0xffff  }
0xb7: {  	s8 =	sadd.s32 $0x5080, s8;
	v9 =	vld.idx.msk [tilespmem:v4+s2+$0xFFFFFFE0 ss:$0x1], $0xffff  }
0xb8: {  	v3 =	vmov s8;
	v8 =	vld.idx.msk [tilespmem:v4+s2+$0xFFFFFFF0 ss:$0x1], $0xffff  }
0xb9: {  	v6 =	vld.idx.msk [tilespmem:v4+s2+$0x0 ss:$0x1], $0xffff  }
0xba: {  	v7 =	vld.idx.msk [tilespmem:v4+s2+$0x10 ss:$0x1], $0xffff  }
0xbb: {  	v5 =	vld.idx.msk [tilespmem:v4+s2+$0x20 ss:$0x1], $0xffff;
	v12 =	vadd.f32 v12, v11  }
0xbc: {  	v11 =	vld [tilespmem:s2+$0x39C0]  }
0xbd: {  	s9 =	simm.s32 $0x1000;
	s8 =	simm.s32 $0x0;
	v16 =	vadd.f32 v17, v16;
	[tilespmem:v3+s2+$0x6070 ss:$0x1] =	vst.idx.msk $0xffff, v12;
	v12 =	vld [tilespmem:s2+$0x39D0]  }
.LBB2_10:
0xbe: {  	s11 =	sshra.s32 s9, $0x2;
	s8 =	sadd.s32 $0x80, s8;
	v10 =	vadd.f32 v15, v10;
	v15 =	vld [tilespmem:s2+$0x39E0]  }
0xbf: {  	v17 =	vld.idx.msk [tilespmem:v4+s11+$0x30 ss:$0x1], $0xffff;
	p0 =	slt.u32 s8, $0x280;
	[tilespmem:v3+s2+$0x6000 ss:$0x1] =	vst.idx.msk $0xffff, v16;
	v9 =	vadd.f32 v14, v9  }
0xc0: {  	v14 =	vld [tilespmem:s11+$0x39F0];
	[tilespmem:v3+s2+$0x6010 ss:$0x1] =	vst.idx.msk $0xffff, v10;
	v8 =	vadd.f32 v13, v8  }
0xc1: {  	v16 =	vld.idx.msk [tilespmem:v4+s11+$0xFFFFFFC0 ss:$0x1], $0xffff;
	[tilespmem:v3+s2+$0x6020 ss:$0x1] =	vst.idx.msk $0xffff, v9;
	v6 =	vadd.f32 v11, v6  }
0xc2: {  	v10 =	vld.idx.msk [tilespmem:v4+s11+$0xFFFFFFD0 ss:$0x1], $0xffff;
	[tilespmem:v3+s2+$0x6030 ss:$0x1] =	vst.idx.msk $0xffff, v8;
	v7 =	vadd.f32 v12, v7  }
0xc3: {  	v9 =	vld.idx.msk [tilespmem:v4+s11+$0xFFFFFFE0 ss:$0x1], $0xffff;
	[tilespmem:v3+s2+$0x6040 ss:$0x1] =	vst.idx.msk $0xffff, v6;
	v5 =	vadd.f32 v15, v5  }
0xc4: {  	v8 =	vld.idx.msk [tilespmem:v4+s11+$0xFFFFFFF0 ss:$0x1], $0xffff;
	[tilespmem:v3+s2+$0x6050 ss:$0x1] =	vst.idx.msk $0xffff, v7  }
0xc5: {  	v6 =	vld.idx.msk [tilespmem:v4+s11+$0x0 ss:$0x1], $0xffff;
	v11 =	vadd.f32 v14, v17;
	[tilespmem:v3+s2+$0x6060 ss:$0x1] =	vst.idx.msk $0xffff, v5;
	s2 =	smov.u32 s11  }
0xc6: {  	v7 =	vld.idx.msk [tilespmem:v4+s2+$0x10 ss:$0x1], $0xffff  }
0xc7: {  	v5 =	vld.idx.msk [tilespmem:v4+s2+$0x20 ss:$0x1], $0xffff;
	[tilespmem:v3+s2+$0x6070 ss:$0x1] =	vst.idx.msk $0xffff, v11  }
0xc8: {  	v12 =	vld [tilespmem:s2+$0x3980]  }
.Ltmp4:
0xc9: {  	v15 =	vld [tilespmem:s2+$0x3990];
	(pc) =	sbr.rel @p0 .LBB2_10-.Ltmp4, $4  }
0xca: {  	v14 =	vld [tilespmem:s2+$0x39A0]  }
0xcb: {  	v13 =	vld [tilespmem:s2+$0x39B0]  }
0xcc: {  	v11 =	vld [tilespmem:s2+$0x39C0]  }
0xcd: {  	s9 =	sadd.s32 $0x1000, s9;
	v16 =	vadd.f32 v12, v16;
	v12 =	vld [tilespmem:s2+$0x39D0]  }
0xce: {  	_ =	sdelay $0x2  }
0xcf: {  	v4 =	vadd.f32 v15, v10;
	v61 =	vld [tilespmem:s2+$0x39E0]  }
0xd0: {  	s7 =	sadd.s32 $0x1, s7;
	[tilespmem:v3+s2+$0x6000 ss:$0x1] =	vst.idx.msk $0xffff, v16;
	v9 =	vadd.f32 v14, v9  }
0xd1: {  	p0 =	sne.s32 s7, $0x10;
	[tilespmem:v3+s2+$0x6010 ss:$0x1] =	vst.idx.msk $0xffff, v4;
	v62 =	vadd.f32 v13, v8  }
.Ltmp5:
0xd2: {  	[tilespmem:v3+s2+$0x6020 ss:$0x1] =	vst.idx.msk $0xffff, v9;
	v6 =	vadd.f32 v11, v6;
	(pc) =	sbr.rel @p0 .LBB2_9-.Ltmp5, $4  }
0xd3: {  	[tilespmem:v3+s2+$0x6030 ss:$0x1] =	vst.idx.msk $0xffff, v62;
	v63 =	vadd.f32 v12, v7  }
0xd4: {  	[tilespmem:v3+s2+$0x6040 ss:$0x1] =	vst.idx.msk $0xffff, v6;
	v5 =	vadd.f32 v61, v5  }
0xd5: {  	[tilespmem:v3+s2+$0x6050 ss:$0x1] =	vst.idx.msk $0xffff, v63  }
0xd6: {  	s0 =	sadd.s32 $0x1, s0;
	[tilespmem:v3+s2+$0x6060 ss:$0x1] =	vst.idx.msk $0xffff, v5  }
0xd7: {  	v3 =	vld [tilespmem:$0x20];
	_ =	sdelay $0x4  }
0xd8: {  	v4 =	vshrl.u32 v3, $0x3  }
0xd9: {  	v4 =	vmul.u32 $0x30, v4  }
0xda: {  	v3 =	vand.u32 $0x7, v3  }
0xdb: {  	v3 =	vor.u32 v3, v4  }
0xdc: {  	v4 =	vperm.xlane v3, v0;
	_ =	sdelay $0x1  }
0xdd: {  	v4 =	vadd.s32 v1, v4;
	_ =	sdelay $0x3  }
0xde: {  	s0 =	simm.s32 $0x0;
	v3 =	vperm.xlane v3, v2  }
0xdf: {  	[tilespmem:s6], [sflag:$0x3] =	stream.indirect_vreg.gather [hbm4b:s1+s0], $0x80, v4, vm0, $0xb8;
	[tilespmem:$0x1A080] =	vst v63  }
0xe0: {  	s2 =	simm.s32 $0x14880;
	v3 =	vadd.s32 v1, v3  }
0xe1: {  	[tilespmem:s2], [sflag:$0x3] =	stream.indirect_vreg.gather [hbm4b:s10+s0], $0x80, v4, vm0, $0xb8;
	[tilespmem:$0x1A080] =	vst v63  }
0xe2: {  	s17 =	simm.s32 $0x15080  }
0xe3: {  	[tilespmem:s17], [sflag:$0x3] =	stream.indirect_vreg.gather [hbm4b:s12+s0], $0x80, v4, vm0, $0xb8;
	[tilespmem:$0x1A080] =	vst v63  }
0xe4: {  	s22 =	simm.s32 $0x15880  }
0xe5: {  	[tilespmem:s22], [sflag:$0x3] =	stream.indirect_vreg.gather [hbm4b:s1+s0], $0x80, v3, vm0, $0xb8;
	[tilespmem:$0x1A080] =	vst v63  }
0xe6: {  	s23 =	simm.s32 $0x16080  }
0xe7: {  	[tilespmem:s23], [sflag:$0x3] =	stream.indirect_vreg.gather [hbm4b:s10+s0], $0x80, v3, vm0, $0xb8;
	[tilespmem:$0x1A080] =	vst v63  }
0xe8: {  	s24 =	simm.s32 $0x16880  }
0xe9: {  	[tilespmem:s24], [sflag:$0x3] =	stream.indirect_vreg.gather [hbm4b:s12+s0], $0x80, v3, vm0, $0xb8;
	[tilespmem:$0x1A080] =	vst v63  }
0xea: {  	_ =	swait.ge [sflag:s15], $0x3000  }
0xeb: {  	[sflag:s15] =	ssyncset.done $0x0  }
0xec: {  	s2 =	simm.s32 $0x0;
	[sflag:s15] =	ssyncadd.s32 $0xFFFFD000  }
.LBB2_13:
0xed: {  	v3 =	vld [tilespmem:s2+$0x400];
	_ =	sdelay $0x4  }
0xee: {  	(v2sf) =	vpush v3, $0x0;
	_ =	sdelay $0xe  }
0xef: {  	s7 =	sand.u32 $0x7, s0;
	s8 =	spop (v2sf)  }
0xf0: {  	s7 =	sshll.u32 s7, $0x9;
	s8 =	sshll.u32 s8, $0x4  }
0xf1: {  	s7 =	sshrl.u32 s7, $0x2;
	s8 =	sadd.s32 s8, s2  }
0xf2: {  	v3 =	vmov s7;
	s8 =	sshrl.u32 s8, $0x3  }
0xf3: {  	s8 =	smul.u32 $0x6000, s8;
	_ =	sdelay $0x1  }
0xf4: {  	s8 =	sshra.s32 s8, $0x2  }
0xf5: {  	s11 =	sadd.s32 $0x50C0, s8  }
0xf6: {  	v4 =	vld.idx.msk [tilespmem:v3+s11+$0x30 ss:$0x1], $0xffff  }
0xf7: {  	s24 =	sshrl.u32 s2, $0x3;
	v5 =	vld.idx.msk [tilespmem:v3+s11+$0xFFFFFFD0 ss:$0x1], $0xffff  }
0xf8: {  	s8 =	smul.u32 $0x6000, s24;
	v6 =	vld.idx.msk [tilespmem:v3+s11+$0xFFFFFFE0 ss:$0x1], $0xffff  }
0xf9: {  	v7 =	vld.idx.msk [tilespmem:v3+s11+$0xFFFFFFF0 ss:$0x1], $0xffff  }
0xfa: {  	v8 =	vld.idx.msk [tilespmem:v3+s11+$0x0 ss:$0x1], $0xffff;
	s8 =	sshra.s32 s8, $0x2  }
0xfb: {  	v9 =	vld.idx.msk [tilespmem:v3+s11+$0x10 ss:$0x1], $0xffff;
	s8 =	sadd.s32 $0xE080, s8  }
0xfc: {  	v10 =	vld.idx.msk [tilespmem:v3+s11+$0xFFFFFFC0 ss:$0x1], $0xffff;
	s13 =	sadd.s32 s7, s8  }
0xfd: {  	[tilespmem:s13+$0x70] =	vst.add.f32.msk $0xffff, v4  }
0xfe: {  	v4 =	vld.idx.msk [tilespmem:v3+s11+$0x20 ss:$0x1], $0xffff  }
0xff: {  	[tilespmem:s13+$0x10] =	vst.add.f32.msk $0xffff, v5  }
0x100: {  	[tilespmem:s13+$0x20] =	vst.add.f32.msk $0xffff, v6  }
0x101: {  	[tilespmem:s13+$0x30] =	vst.add.f32.msk $0xffff, v7  }
0x102: {  	[tilespmem:s13+$0x40] =	vst.add.f32.msk $0xffff, v8  }
0x103: {  	[tilespmem:s13+$0x50] =	vst.add.f32.msk $0xffff, v9  }
0x104: {  	[tilespmem:s13+$0x0] =	vst.add.f32.msk $0xffff, v10  }
0x105: {  	s9 =	simm.s32 $0x0;
	s11 =	sadd.s32 $0x400, s11;
	[tilespmem:s13+$0x60] =	vst.add.f32.msk $0xffff, v4  }
.LBB2_14:
0x106: {  	v4 =	vld.idx.msk [tilespmem:v3+s11+$0x30 ss:$0x1], $0xffff;
	s9 =	sadd.s32 $0x80, s9  }
0x107: {  	v5 =	vld.idx.msk [tilespmem:v3+s11+$0xFFFFFFD0 ss:$0x1], $0xffff;
	p0 =	slt.u32 s9, $0x280  }
0x108: {  	v6 =	vld.idx.msk [tilespmem:v3+s11+$0xFFFFFFE0 ss:$0x1], $0xffff  }
0x109: {  	v7 =	vld.idx.msk [tilespmem:v3+s11+$0xFFFFFFF0 ss:$0x1], $0xffff  }
0x10a: {  	s8 =	sadd.s32 $0x400, s8;
	v8 =	vld.idx.msk [tilespmem:v3+s11+$0x0 ss:$0x1], $0xffff  }
0x10b: {  	s13 =	sadd.s32 s7, s8;
	v9 =	vld.idx.msk [tilespmem:v3+s11+$0x10 ss:$0x1], $0xffff  }
0x10c: {  	[tilespmem:s13+$0x70] =	vst.add.f32.msk $0xffff, v4  }
0x10d: {  	v4 =	vld.idx.msk [tilespmem:v3+s11+$0x20 ss:$0x1], $0xffff  }
0x10e: {  	v10 =	vld.idx.msk [tilespmem:v3+s11+$0xFFFFFFC0 ss:$0x1], $0xffff  }
0x10f: {  	[tilespmem:s13+$0x10] =	vst.add.f32.msk $0xffff, v5  }
0x110: {  	[tilespmem:s13+$0x20] =	vst.add.f32.msk $0xffff, v6  }
.Ltmp6:
0x111: {  	[tilespmem:s13+$0x30] =	vst.add.f32.msk $0xffff, v7;
	(pc) =	sbr.rel @p0 .LBB2_14-.Ltmp6, $4  }
0x112: {  	[tilespmem:s13+$0x40] =	vst.add.f32.msk $0xffff, v8  }
0x113: {  	[tilespmem:s13+$0x50] =	vst.add.f32.msk $0xffff, v9  }
0x114: {  	[tilespmem:s13+$0x0] =	vst.add.f32.msk $0xffff, v10  }
0x115: {  	s11 =	sadd.s32 $0x400, s11;
	[tilespmem:s13+$0x60] =	vst.add.f32.msk $0xffff, v4  }
0x116: {  	s2 =	sadd.s32 $0x1, s2  }
0x117: {  	p0 =	sne.s32 s2, $0x10  }
.Ltmp7:
0x118: {  	_ = 	snop;
	(pc) =	sbr.rel @p0 .LBB2_13-.Ltmp7, $2  }
0x119: {  	_ =	sdelay $0x2  }
0x11a: {  	s0 =	sadd.s32 $0x1, s0  }
0x11b: {  	s0 =	simm.s32 $0x0;
	s2 =	rddreg [dreg:$0x9]  }
0x11c: {  	[hbm4b:s2+s0] =	stream.linear.scatter [tilespmem:s21], [sflag:$0x5], $0x3000, $0x38;
	[tilespmem:$0x1A080] =	vst v63  }
0x11d: {  	v3 =	vld [tilespmem:$0x30];
	_ =	sdelay $0x4  }
0x11e: {  	v4 =	vshrl.u32 v3, $0x3  }
0x11f: {  	v4 =	vmul.u32 $0x30, v4  }
0x120: {  	v3 =	vand.u32 $0x7, v3  }
0x121: {  	v3 =	vor.u32 v3, v4  }
0x122: {  	v4 =	vperm.xlane v3, v0;
	_ =	sdelay $0x1  }
0x123: {  	v4 =	vadd.s32 v1, v4;
	_ =	sdelay $0x3  }
0x124: {  	v3 =	vperm.xlane v3, v2  }
0x125: {  	[tilespmem:s16], [sflag:$0x4] =	stream.indirect_vreg.gather [hbm4b:s1+s0], $0x80, v4, vm0, $0xb8;
	[tilespmem:$0x1A080] =	vst v63  }
0x126: {  	s14 =	simm.s32 $0x17880;
	v3 =	vadd.s32 v1, v3  }
0x127: {  	[tilespmem:s14], [sflag:$0x4] =	stream.indirect_vreg.gather [hbm4b:s10+s0], $0x80, v4, vm0, $0xb8;
	[tilespmem:$0x1A080] =	vst v63  }
0x128: {  	s17 =	simm.s32 $0x18080  }
0x129: {  	[tilespmem:s17], [sflag:$0x4] =	stream.indirect_vreg.gather [hbm4b:s12+s0], $0x80, v4, vm0, $0xb8;
	[tilespmem:$0x1A080] =	vst v63  }
0x12a: {  	s22 =	simm.s32 $0x18880  }
0x12b: {  	[tilespmem:s22], [sflag:$0x4] =	stream.indirect_vreg.gather [hbm4b:s1+s0], $0x80, v3, vm0, $0xb8;
	[tilespmem:$0x1A080] =	vst v63  }
0x12c: {  	s23 =	simm.s32 $0x19080  }
0x12d: {  	[tilespmem:s23], [sflag:$0x4] =	stream.indirect_vreg.gather [hbm4b:s10+s0], $0x80, v3, vm0, $0xb8;
	[tilespmem:$0x1A080] =	vst v63  }
0x12e: {  	s24 =	simm.s32 $0x19880  }
0x12f: {  	[tilespmem:s24], [sflag:$0x4] =	stream.indirect_vreg.gather [hbm4b:s12+s0], $0x80, v3, vm0, $0xb8;
	[tilespmem:$0x1A080] =	vst v63  }
0x130: {  	_ =	swait.ge [sflag:s25], $0x3000  }
0x131: {  	[sflag:s25] =	ssyncset.done $0x0  }
0x132: {  	s2 =	simm.s32 $0x0;
	[sflag:s25] =	ssyncadd.s32 $0xFFFFD000  }
.LBB2_17:
0x133: {  	v3 =	vld [tilespmem:s2+$0x410];
	_ =	sdelay $0x4  }
0x134: {  	(v2sf) =	vpush v3, $0x0;
	_ =	sdelay $0xe  }
0x135: {  	s7 =	sand.u32 $0x7, s0;
	s8 =	spop (v2sf)  }
0x136: {  	s7 =	sshll.u32 s7, $0x9;
	s8 =	sshll.u32 s8, $0x4  }
0x137: {  	s7 =	sshrl.u32 s7, $0x2;
	s8 =	sadd.s32 s8, s2  }
0x138: {  	v3 =	vmov s7;
	s8 =	sshrl.u32 s8, $0x3  }
0x139: {  	s8 =	smul.u32 $0x6000, s8;
	_ =	sdelay $0x1  }
0x13a: {  	s8 =	sshra.s32 s8, $0x2  }
0x13b: {  	s11 =	sadd.s32 $0x50C0, s8  }
0x13c: {  	v4 =	vld.idx.msk [tilespmem:v3+s11+$0x30 ss:$0x1], $0xffff  }
0x13d: {  	s24 =	sshrl.u32 s2, $0x3;
	v5 =	vld.idx.msk [tilespmem:v3+s11+$0xFFFFFFD0 ss:$0x1], $0xffff  }
0x13e: {  	s8 =	smul.u32 $0x6000, s24;
	v6 =	vld.idx.msk [tilespmem:v3+s11+$0xFFFFFFE0 ss:$0x1], $0xffff  }
0x13f: {  	v7 =	vld.idx.msk [tilespmem:v3+s11+$0xFFFFFFF0 ss:$0x1], $0xffff  }
0x140: {  	v8 =	vld.idx.msk [tilespmem:v3+s11+$0x0 ss:$0x1], $0xffff;
	s8 =	sshra.s32 s8, $0x2  }
0x141: {  	v9 =	vld.idx.msk [tilespmem:v3+s11+$0x10 ss:$0x1], $0xffff;
	s8 =	sadd.s32 $0xE080, s8  }
0x142: {  	v10 =	vld.idx.msk [tilespmem:v3+s11+$0xFFFFFFC0 ss:$0x1], $0xffff;
	s13 =	sadd.s32 s7, s8  }
0x143: {  	[tilespmem:s13+$0x3070] =	vst.add.f32.msk $0xffff, v4  }
0x144: {  	v4 =	vld.idx.msk [tilespmem:v3+s11+$0x20 ss:$0x1], $0xffff  }
0x145: {  	[tilespmem:s13+$0x3010] =	vst.add.f32.msk $0xffff, v5  }
0x146: {  	[tilespmem:s13+$0x3020] =	vst.add.f32.msk $0xffff, v6  }
0x147: {  	[tilespmem:s13+$0x3030] =	vst.add.f32.msk $0xffff, v7  }
0x148: {  	[tilespmem:s13+$0x3040] =	vst.add.f32.msk $0xffff, v8  }
0x149: {  	[tilespmem:s13+$0x3050] =	vst.add.f32.msk $0xffff, v9  }
0x14a: {  	[tilespmem:s13+$0x3000] =	vst.add.f32.msk $0xffff, v10  }
0x14b: {  	s9 =	simm.s32 $0x0;
	s11 =	sadd.s32 $0x400, s11;
	[tilespmem:s13+$0x3060] =	vst.add.f32.msk $0xffff, v4  }
.LBB2_18:
0x14c: {  	v4 =	vld.idx.msk [tilespmem:v3+s11+$0x30 ss:$0x1], $0xffff;
	s9 =	sadd.s32 $0x80, s9  }
0x14d: {  	v5 =	vld.idx.msk [tilespmem:v3+s11+$0xFFFFFFD0 ss:$0x1], $0xffff;
	p0 =	slt.u32 s9, $0x280  }
0x14e: {  	v6 =	vld.idx.msk [tilespmem:v3+s11+$0xFFFFFFE0 ss:$0x1], $0xffff  }
0x14f: {  	v7 =	vld.idx.msk [tilespmem:v3+s11+$0xFFFFFFF0 ss:$0x1], $0xffff  }
0x150: {  	s8 =	sadd.s32 $0x400, s8;
	v8 =	vld.idx.msk [tilespmem:v3+s11+$0x0 ss:$0x1], $0xffff  }
0x151: {  	s13 =	sadd.s32 s7, s8;
	v9 =	vld.idx.msk [tilespmem:v3+s11+$0x10 ss:$0x1], $0xffff  }
0x152: {  	[tilespmem:s13+$0x3070] =	vst.add.f32.msk $0xffff, v4  }
0x153: {  	v4 =	vld.idx.msk [tilespmem:v3+s11+$0x20 ss:$0x1], $0xffff  }
0x154: {  	v10 =	vld.idx.msk [tilespmem:v3+s11+$0xFFFFFFC0 ss:$0x1], $0xffff  }
0x155: {  	[tilespmem:s13+$0x3010] =	vst.add.f32.msk $0xffff, v5  }
0x156: {  	[tilespmem:s13+$0x3020] =	vst.add.f32.msk $0xffff, v6  }
.Ltmp8:
0x157: {  	[tilespmem:s13+$0x3030] =	vst.add.f32.msk $0xffff, v7;
	(pc) =	sbr.rel @p0 .LBB2_18-.Ltmp8, $4  }
0x158: {  	[tilespmem:s13+$0x3040] =	vst.add.f32.msk $0xffff, v8  }
0x159: {  	[tilespmem:s13+$0x3050] =	vst.add.f32.msk $0xffff, v9  }
0x15a: {  	[tilespmem:s13+$0x3000] =	vst.add.f32.msk $0xffff, v10  }
0x15b: {  	s11 =	sadd.s32 $0x400, s11;
	[tilespmem:s13+$0x3060] =	vst.add.f32.msk $0xffff, v4  }
0x15c: {  	s2 =	sadd.s32 $0x1, s2  }
0x15d: {  	p0 =	sne.s32 s2, $0x10  }
.Ltmp9:
0x15e: {  	_ = 	snop;
	(pc) =	sbr.rel @p0 .LBB2_17-.Ltmp9, $2  }
0x15f: {  	_ =	sdelay $0x2  }
0x160: {  	s0 =	sadd.s32 $0x1, s0  }
0x161: {  	s0 =	rddreg [dreg:$0xa]  }
0x162: {  	[hbm4b:s0+s31] =	stream.linear.scatter [tilespmem:s28], [sflag:$0x6], $0x3000, $0x38;
	[tilespmem:$0x1A080] =	vst v63  }
0x163: {  	s0 =	simm.s32 $0x0  }
.LBB2_21:
0x164: {  	s13 =	sshll.u32 s0, $0x2;
	_ =	swait.ge [sflag:s18], $0x3000  }
0x165: {  	[sflag:s18] =	ssyncset.done $0x0;
	s2 =	sadd.s32 $0x4, s13  }
0x166: {  	[sflag:s18] =	ssyncadd.s32 $0xFFFFD000;
	s8 =	sshll.u32 s2, $0x4  }
0x167: {  	v3 =	vld [tilespmem:s8+$0x0];
	_ =	sdelay $0x4  }
0x168: {  	v4 =	vshrl.u32 v3, $0x3  }
0x169: {  	v4 =	vmul.u32 $0x30, v4  }
0x16a: {  	v3 =	vand.u32 $0x7, v3  }
0x16b: {  	v3 =	vor.u32 v3, v4  }
0x16c: {  	v4 =	vperm.xlane v3, v0;
	_ =	sdelay $0x1  }
0x16d: {  	v4 =	vadd.s32 v1, v4;
	_ =	sdelay $0x3  }
0x16e: {  	v3 =	vperm.xlane v3, v2  }
0x16f: {  	[tilespmem:s21], [sflag:$0x1] =	stream.indirect_vreg.gather [hbm4b:s1+s31], $0x80, v4, vm0, $0xb8;
	[tilespmem:$0x1A080] =	vst v63  }
0x170: {  	s4 =	simm.s32 $0xE880;
	v3 =	vadd.s32 v1, v3  }
0x171: {  	[tilespmem:s4], [sflag:$0x1] =	stream.indirect_vreg.gather [hbm4b:s10+s31], $0x80, v4, vm0, $0xb8;
	[tilespmem:$0x1A080] =	vst v63  }
0x172: {  	s17 =	simm.s32 $0xF080  }
0x173: {  	[tilespmem:s17], [sflag:$0x1] =	stream.indirect_vreg.gather [hbm4b:s12+s31], $0x80, v4, vm0, $0xb8;
	[tilespmem:$0x1A080] =	vst v63  }
0x174: {  	s22 =	simm.s32 $0xF880  }
0x175: {  	[tilespmem:s22], [sflag:$0x1] =	stream.indirect_vreg.gather [hbm4b:s1+s31], $0x80, v3, vm0, $0xb8;
	[tilespmem:$0x1A080] =	vst v63  }
0x176: {  	s23 =	simm.s32 $0x10080;
	s7 =	sor.u32 $0x2, s13  }
0x177: {  	[tilespmem:s23], [sflag:$0x1] =	stream.indirect_vreg.gather [hbm4b:s10+s31], $0x80, v3, vm0, $0xb8;
	[tilespmem:$0x1A080] =	vst v63  }
0x178: {  	s24 =	simm.s32 $0x10880;
	s9 =	sshll.u32 s7, $0x4  }
0x179: {  	[tilespmem:s24], [sflag:$0x1] =	stream.indirect_vreg.gather [hbm4b:s12+s31], $0x80, v3, vm0, $0xb8;
	[tilespmem:$0x1A080] =	vst v63  }
0x17a: {  	s9 =	sand.u32 $0x3FFFFFE0, s9;
	_ =	swait.ge [sflag:s26], $0x3000  }
0x17b: {  	s9 =	sadd.s32 $0x400, s9;
	[sflag:s26] =	ssyncset.done $0x0  }
0x17c: {  	s14 =	simm.s32 $0x0;
	v3 =	vmov s9;
	s9 =	simm.s32 $0x0;
	[sflag:s26] =	ssyncadd.s32 $0xFFFFD000  }
.LBB2_22:
0x17d: {  	_ =	sdelay $0x3  }
0x17e: {  	v4 =	vld.idx.msk [tilespmem:v3+s14+$0x0 ss:$0x1], $0xffff;
	_ =	sdelay $0x4  }
0x17f: {  	(v2sf) =	vpush v4, $0x0;
	_ =	sdelay $0xe  }
0x180: {  	s11 =	sand.u32 $0x7, s9;
	s17 =	spop (v2sf)  }
0x181: {  	s11 =	sshll.u32 s11, $0x9;
	s17 =	sshll.u32 s17, $0x4  }
0x182: {  	s11 =	sshrl.u32 s11, $0x2;
	s17 =	sadd.s32 s17, s14  }
0x183: {  	v4 =	vmov s11;
	s17 =	sshrl.u32 s17, $0x3  }
0x184: {  	s17 =	smul.u32 $0x6000, s17;
	_ =	sdelay $0x1  }
0x185: {  	s17 =	sshra.s32 s17, $0x2  }
0x186: {  	s23 =	sadd.s32 $0x50C0, s17  }
0x187: {  	v5 =	vld.idx.msk [tilespmem:v4+s23+$0x30 ss:$0x1], $0xffff  }
0x188: {  	s24 =	sshrl.u32 s14, $0x3;
	v6 =	vld.idx.msk [tilespmem:v4+s23+$0xFFFFFFD0 ss:$0x1], $0xffff  }
0x189: {  	s17 =	smul.u32 $0x6000, s24;
	v7 =	vld.idx.msk [tilespmem:v4+s23+$0xFFFFFFE0 ss:$0x1], $0xffff  }
0x18a: {  	v8 =	vld.idx.msk [tilespmem:v4+s23+$0xFFFFFFF0 ss:$0x1], $0xffff  }
0x18b: {  	v9 =	vld.idx.msk [tilespmem:v4+s23+$0x0 ss:$0x1], $0xffff;
	s17 =	sshra.s32 s17, $0x2  }
0x18c: {  	v10 =	vld.idx.msk [tilespmem:v4+s23+$0x10 ss:$0x1], $0xffff;
	s17 =	sadd.s32 $0xE080, s17  }
0x18d: {  	v11 =	vld.idx.msk [tilespmem:v4+s23+$0xFFFFFFC0 ss:$0x1], $0xffff;
	s24 =	sadd.s32 s11, s17  }
0x18e: {  	[tilespmem:s24+$0x6070] =	vst.add.f32.msk $0xffff, v5  }
0x18f: {  	v5 =	vld.idx.msk [tilespmem:v4+s23+$0x20 ss:$0x1], $0xffff  }
0x190: {  	[tilespmem:s24+$0x6010] =	vst.add.f32.msk $0xffff, v6  }
0x191: {  	[tilespmem:s24+$0x6020] =	vst.add.f32.msk $0xffff, v7  }
0x192: {  	[tilespmem:s24+$0x6030] =	vst.add.f32.msk $0xffff, v8  }
0x193: {  	[tilespmem:s24+$0x6040] =	vst.add.f32.msk $0xffff, v9  }
0x194: {  	[tilespmem:s24+$0x6050] =	vst.add.f32.msk $0xffff, v10  }
0x195: {  	[tilespmem:s24+$0x6000] =	vst.add.f32.msk $0xffff, v11  }
0x196: {  	s22 =	simm.s32 $0x0;
	s23 =	sadd.s32 $0x400, s23;
	[tilespmem:s24+$0x6060] =	vst.add.f32.msk $0xffff, v5  }
.LBB2_23:
0x197: {  	v5 =	vld.idx.msk [tilespmem:v4+s23+$0x30 ss:$0x1], $0xffff;
	s22 =	sadd.s32 $0x80, s22  }
0x198: {  	v6 =	vld.idx.msk [tilespmem:v4+s23+$0xFFFFFFD0 ss:$0x1], $0xffff;
	p0 =	slt.u32 s22, $0x280  }
0x199: {  	v7 =	vld.idx.msk [tilespmem:v4+s23+$0xFFFFFFE0 ss:$0x1], $0xffff  }
0x19a: {  	v8 =	vld.idx.msk [tilespmem:v4+s23+$0xFFFFFFF0 ss:$0x1], $0xffff  }
0x19b: {  	s17 =	sadd.s32 $0x400, s17;
	v9 =	vld.idx.msk [tilespmem:v4+s23+$0x0 ss:$0x1], $0xffff  }
0x19c: {  	s24 =	sadd.s32 s11, s17;
	v10 =	vld.idx.msk [tilespmem:v4+s23+$0x10 ss:$0x1], $0xffff  }
0x19d: {  	[tilespmem:s24+$0x6070] =	vst.add.f32.msk $0xffff, v5  }
0x19e: {  	v5 =	vld.idx.msk [tilespmem:v4+s23+$0x20 ss:$0x1], $0xffff  }
0x19f: {  	v11 =	vld.idx.msk [tilespmem:v4+s23+$0xFFFFFFC0 ss:$0x1], $0xffff  }
0x1a0: {  	[tilespmem:s24+$0x6010] =	vst.add.f32.msk $0xffff, v6  }
0x1a1: {  	[tilespmem:s24+$0x6020] =	vst.add.f32.msk $0xffff, v7  }
.Ltmp10:
0x1a2: {  	[tilespmem:s24+$0x6030] =	vst.add.f32.msk $0xffff, v8;
	(pc) =	sbr.rel @p0 .LBB2_23-.Ltmp10, $4  }
0x1a3: {  	[tilespmem:s24+$0x6040] =	vst.add.f32.msk $0xffff, v9  }
0x1a4: {  	[tilespmem:s24+$0x6050] =	vst.add.f32.msk $0xffff, v10  }
0x1a5: {  	[tilespmem:s24+$0x6000] =	vst.add.f32.msk $0xffff, v11  }
0x1a6: {  	s23 =	sadd.s32 $0x400, s23;
	[tilespmem:s24+$0x6060] =	vst.add.f32.msk $0xffff, v5  }
0x1a7: {  	s14 =	sadd.s32 $0x1, s14  }
0x1a8: {  	p0 =	sne.s32 s14, $0x10  }
.Ltmp11:
0x1a9: {  	_ = 	snop;
	(pc) =	sbr.rel @p0 .LBB2_22-.Ltmp11, $2  }
0x1aa: {  	_ =	sdelay $0x2  }
0x1ab: {  	s9 =	sadd.s32 $0x1, s9  }
0x1ac: {  	s7 =	smul.u32 $0x60000, s7;
	_ =	sdelay $0x1  }
0x1ad: {  	s7 =	sadd.s32 s5, s7  }
0x1ae: {  	s7 =	sshrl.u32 s7, $0x3  }
0x1af: {  	s14 =	simm.s32 $0x0;
	s7 =	sadd.s32 s3, s7  }
0x1b0: {  	[hbm4b:s7+s14] =	stream.linear.scatter [tilespmem:s6], [sflag:$0x7], $0x3000, $0x38;
	[tilespmem:$0x1A080] =	vst v63  }
0x1b1: {  	_ =	swait.ge [sflag:s19], $0x3000  }
0x1b2: {  	s7 =	sadd.s32 $0x5, s13;
	[sflag:s19] =	ssyncset.done $0x0  }
0x1b3: {  	s9 =	sshll.u32 s7, $0x4;
	[sflag:s19] =	ssyncadd.s32 $0xFFFFD000  }
0x1b4: {  	v3 =	vld [tilespmem:s9+$0x0];
	_ =	sdelay $0x4  }
0x1b5: {  	v4 =	vshrl.u32 v3, $0x3  }
0x1b6: {  	v4 =	vmul.u32 $0x30, v4  }
0x1b7: {  	v3 =	vand.u32 $0x7, v3  }
0x1b8: {  	v3 =	vor.u32 v3, v4  }
0x1b9: {  	v4 =	vperm.xlane v3, v0;
	_ =	sdelay $0x1  }
0x1ba: {  	v4 =	vadd.s32 v1, v4;
	_ =	sdelay $0x3  }
0x1bb: {  	v3 =	vperm.xlane v3, v2  }
0x1bc: {  	[tilespmem:s28], [sflag:$0x2] =	stream.indirect_vreg.gather [hbm4b:s1+s14], $0x80, v4, vm0, $0xb8;
	[tilespmem:$0x1A080] =	vst v63  }
0x1bd: {  	s4 =	simm.s32 $0x11880;
	v3 =	vadd.s32 v1, v3  }
0x1be: {  	[tilespmem:s4], [sflag:$0x2] =	stream.indirect_vreg.gather [hbm4b:s10+s14], $0x80, v4, vm0, $0xb8;
	[tilespmem:$0x1A080] =	vst v63  }
0x1bf: {  	s17 =	simm.s32 $0x12080  }
0x1c0: {  	[tilespmem:s17], [sflag:$0x2] =	stream.indirect_vreg.gather [hbm4b:s12+s14], $0x80, v4, vm0, $0xb8;
	[tilespmem:$0x1A080] =	vst v63  }
0x1c1: {  	s22 =	simm.s32 $0x12880  }
0x1c2: {  	[tilespmem:s22], [sflag:$0x2] =	stream.indirect_vreg.gather [hbm4b:s1+s14], $0x80, v3, vm0, $0xb8;
	[tilespmem:$0x1A080] =	vst v63  }
0x1c3: {  	s23 =	simm.s32 $0x13080;
	s13 =	sor.u32 $0x3, s13  }
0x1c4: {  	[tilespmem:s23], [sflag:$0x2] =	stream.indirect_vreg.gather [hbm4b:s10+s14], $0x80, v3, vm0, $0xb8;
	[tilespmem:$0x1A080] =	vst v63  }
0x1c5: {  	s24 =	simm.s32 $0x13880;
	s11 =	sshll.u32 s13, $0x4  }
0x1c6: {  	[tilespmem:s24], [sflag:$0x2] =	stream.indirect_vreg.gather [hbm4b:s12+s14], $0x80, v3, vm0, $0xb8;
	[tilespmem:$0x1A080] =	vst v63  }
0x1c7: {  	s11 =	sand.u32 $0x3FFFFFF0, s11;
	_ =	swait.ge [sflag:s29], $0x3000  }
0x1c8: {  	s11 =	sadd.s32 $0x400, s11;
	[sflag:s29] =	ssyncset.done $0x0  }
0x1c9: {  	v3 =	vmov s11;
	s11 =	simm.s32 $0x0;
	[sflag:s29] =	ssyncadd.s32 $0xFFFFD000  }
.LBB2_26:
0x1ca: {  	_ =	sdelay $0x3  }
0x1cb: {  	v4 =	vld.idx.msk [tilespmem:v3+s11+$0x0 ss:$0x1], $0xffff;
	_ =	sdelay $0x4  }
0x1cc: {  	(v2sf) =	vpush v4, $0x0;
	_ =	sdelay $0xe  }
0x1cd: {  	s17 =	sand.u32 $0x7, s14;
	s22 =	spop (v2sf)  }
0x1ce: {  	s17 =	sshll.u32 s17, $0x9;
	s22 =	sshll.u32 s22, $0x4  }
0x1cf: {  	s17 =	sshrl.u32 s17, $0x2;
	s22 =	sadd.s32 s22, s11  }
0x1d0: {  	v4 =	vmov s17;
	s22 =	sshrl.u32 s22, $0x3  }
0x1d1: {  	s22 =	smul.u32 $0x6000, s22;
	_ =	sdelay $0x1  }
0x1d2: {  	s22 =	sshra.s32 s22, $0x2  }
0x1d3: {  	s24 =	sadd.s32 $0x50C0, s22  }
0x1d4: {  	v5 =	vld.idx.msk [tilespmem:v4+s24+$0x30 ss:$0x1], $0xffff  }
0x1d5: {  	s23 =	sshrl.u32 s11, $0x3;
	v6 =	vld.idx.msk [tilespmem:v4+s24+$0xFFFFFFD0 ss:$0x1], $0xffff  }
0x1d6: {  	s22 =	smul.u32 $0x6000, s23;
	v7 =	vld.idx.msk [tilespmem:v4+s24+$0xFFFFFFE0 ss:$0x1], $0xffff  }
0x1d7: {  	v8 =	vld.idx.msk [tilespmem:v4+s24+$0xFFFFFFF0 ss:$0x1], $0xffff  }
0x1d8: {  	v9 =	vld.idx.msk [tilespmem:v4+s24+$0x0 ss:$0x1], $0xffff;
	s22 =	sshra.s32 s22, $0x2  }
0x1d9: {  	v10 =	vld.idx.msk [tilespmem:v4+s24+$0x10 ss:$0x1], $0xffff;
	s22 =	sadd.s32 $0xE080, s22  }
0x1da: {  	v11 =	vld.idx.msk [tilespmem:v4+s24+$0xFFFFFFC0 ss:$0x1], $0xffff;
	s4 =	sadd.s32 s17, s22  }
0x1db: {  	[tilespmem:s4+$0x9070] =	vst.add.f32.msk $0xffff, v5  }
0x1dc: {  	v5 =	vld.idx.msk [tilespmem:v4+s24+$0x20 ss:$0x1], $0xffff  }
0x1dd: {  	[tilespmem:s4+$0x9010] =	vst.add.f32.msk $0xffff, v6  }
0x1de: {  	[tilespmem:s4+$0x9020] =	vst.add.f32.msk $0xffff, v7  }
0x1df: {  	[tilespmem:s4+$0x9030] =	vst.add.f32.msk $0xffff, v8  }
0x1e0: {  	[tilespmem:s4+$0x9040] =	vst.add.f32.msk $0xffff, v9  }
0x1e1: {  	[tilespmem:s4+$0x9050] =	vst.add.f32.msk $0xffff, v10  }
0x1e2: {  	[tilespmem:s4+$0x9000] =	vst.add.f32.msk $0xffff, v11  }
0x1e3: {  	s23 =	simm.s32 $0x0;
	s24 =	sadd.s32 $0x400, s24;
	[tilespmem:s4+$0x9060] =	vst.add.f32.msk $0xffff, v5  }
.LBB2_27:
0x1e4: {  	v5 =	vld.idx.msk [tilespmem:v4+s24+$0x30 ss:$0x1], $0xffff;
	s23 =	sadd.s32 $0x80, s23  }
0x1e5: {  	v6 =	vld.idx.msk [tilespmem:v4+s24+$0xFFFFFFD0 ss:$0x1], $0xffff;
	p0 =	slt.u32 s23, $0x280  }
0x1e6: {  	v7 =	vld.idx.msk [tilespmem:v4+s24+$0xFFFFFFE0 ss:$0x1], $0xffff  }
0x1e7: {  	v8 =	vld.idx.msk [tilespmem:v4+s24+$0xFFFFFFF0 ss:$0x1], $0xffff  }
0x1e8: {  	s22 =	sadd.s32 $0x400, s22;
	v9 =	vld.idx.msk [tilespmem:v4+s24+$0x0 ss:$0x1], $0xffff  }
0x1e9: {  	s4 =	sadd.s32 s17, s22;
	v10 =	vld.idx.msk [tilespmem:v4+s24+$0x10 ss:$0x1], $0xffff  }
0x1ea: {  	[tilespmem:s4+$0x9070] =	vst.add.f32.msk $0xffff, v5  }
0x1eb: {  	v5 =	vld.idx.msk [tilespmem:v4+s24+$0x20 ss:$0x1], $0xffff  }
0x1ec: {  	v11 =	vld.idx.msk [tilespmem:v4+s24+$0xFFFFFFC0 ss:$0x1], $0xffff  }
0x1ed: {  	[tilespmem:s4+$0x9010] =	vst.add.f32.msk $0xffff, v6  }
0x1ee: {  	[tilespmem:s4+$0x9020] =	vst.add.f32.msk $0xffff, v7  }
.Ltmp12:
0x1ef: {  	[tilespmem:s4+$0x9030] =	vst.add.f32.msk $0xffff, v8;
	(pc) =	sbr.rel @p0 .LBB2_27-.Ltmp12, $4  }
0x1f0: {  	[tilespmem:s4+$0x9040] =	vst.add.f32.msk $0xffff, v9  }
0x1f1: {  	[tilespmem:s4+$0x9050] =	vst.add.f32.msk $0xffff, v10  }
0x1f2: {  	[tilespmem:s4+$0x9000] =	vst.add.f32.msk $0xffff, v11  }
0x1f3: {  	s24 =	sadd.s32 $0x400, s24;
	[tilespmem:s4+$0x9060] =	vst.add.f32.msk $0xffff, v5  }
0x1f4: {  	s11 =	sadd.s32 $0x1, s11  }
0x1f5: {  	p0 =	sne.s32 s11, $0x10  }
.Ltmp13:
0x1f6: {  	_ = 	snop;
	(pc) =	sbr.rel @p0 .LBB2_26-.Ltmp13, $2  }
0x1f7: {  	_ =	sdelay $0x2  }
0x1f8: {  	s14 =	sadd.s32 $0x1, s14  }
0x1f9: {  	s4 =	smul.u32 $0x60000, s13;
	_ =	sdelay $0x1  }
0x1fa: {  	s4 =	sadd.s32 s5, s4  }
0x1fb: {  	s4 =	sshrl.u32 s4, $0x3  }
0x1fc: {  	s14 =	simm.s32 $0x0;
	s4 =	sadd.s32 s3, s4  }
0x1fd: {  	[hbm4b:s4+s14] =	stream.linear.scatter [tilespmem:s16], [sflag:$0x8], $0x3000, $0x38;
	[tilespmem:$0x1A080] =	vst v63  }
0x1fe: {  	_ =	swait.ge [sflag:s20], $0x3000  }
0x1ff: {  	s23 =	sshll.u32 s0, $0x6;
	[sflag:s20] =	ssyncset.done $0x0  }
0x200: {  	s13 =	sand.u32 $0x3FFFFFC0, s23;
	[sflag:s20] =	ssyncadd.s32 $0xFFFFD000  }
0x201: {  	v3 =	vld [tilespmem:s13+$0x60];
	_ =	sdelay $0x4  }
0x202: {  	v4 =	vshrl.u32 v3, $0x3  }
0x203: {  	v4 =	vmul.u32 $0x30, v4  }
0x204: {  	v3 =	vand.u32 $0x7, v3  }
0x205: {  	v3 =	vor.u32 v3, v4  }
0x206: {  	v4 =	vperm.xlane v3, v0;
	_ =	sdelay $0x1  }
0x207: {  	v4 =	vadd.s32 v1, v4;
	_ =	sdelay $0x3  }
0x208: {  	v3 =	vperm.xlane v3, v2  }
0x209: {  	[tilespmem:s6], [sflag:$0x3] =	stream.indirect_vreg.gather [hbm4b:s1+s14], $0x80, v4, vm0, $0xb8;
	[tilespmem:$0x1A080] =	vst v63  }
0x20a: {  	s24 =	simm.s32 $0x14880;
	v3 =	vadd.s32 v1, v3  }
0x20b: {  	[tilespmem:s24], [sflag:$0x3] =	stream.indirect_vreg.gather [hbm4b:s10+s14], $0x80, v4, vm0, $0xb8;
	[tilespmem:$0x1A080] =	vst v63  }
0x20c: {  	s11 =	simm.s32 $0x15080  }
0x20d: {  	[tilespmem:s11], [sflag:$0x3] =	stream.indirect_vreg.gather [hbm4b:s12+s14], $0x80, v4, vm0, $0xb8;
	[tilespmem:$0x1A080] =	vst v63  }
0x20e: {  	s17 =	simm.s32 $0x15880  }
0x20f: {  	[tilespmem:s17], [sflag:$0x3] =	stream.indirect_vreg.gather [hbm4b:s1+s14], $0x80, v3, vm0, $0xb8;
	[tilespmem:$0x1A080] =	vst v63  }
0x210: {  	s22 =	simm.s32 $0x16080  }
0x211: {  	[tilespmem:s22], [sflag:$0x3] =	stream.indirect_vreg.gather [hbm4b:s10+s14], $0x80, v3, vm0, $0xb8;
	[tilespmem:$0x1A080] =	vst v63  }
0x212: {  	s23 =	simm.s32 $0x16880  }
0x213: {  	[tilespmem:s23], [sflag:$0x3] =	stream.indirect_vreg.gather [hbm4b:s12+s14], $0x80, v3, vm0, $0xb8;
	[tilespmem:$0x1A080] =	vst v63  }
0x214: {  	_ =	swait.ge [sflag:s15], $0x3000  }
0x215: {  	s24 =	sadd.s32 $0x400, s8;
	[sflag:s15] =	ssyncset.done $0x0  }
0x216: {  	s8 =	simm.s32 $0x0;
	v3 =	vmov s24;
	[sflag:s15] =	ssyncadd.s32 $0xFFFFD000  }
.LBB2_30:
0x217: {  	_ =	sdelay $0x3  }
0x218: {  	v4 =	vld.idx.msk [tilespmem:v3+s8+$0x0 ss:$0x1], $0xffff;
	_ =	sdelay $0x4  }
0x219: {  	(v2sf) =	vpush v4, $0x0;
	_ =	sdelay $0xe  }
0x21a: {  	s4 =	sand.u32 $0x7, s14;
	s11 =	spop (v2sf)  }
0x21b: {  	s4 =	sshll.u32 s4, $0x9;
	s11 =	sshll.u32 s11, $0x4  }
0x21c: {  	s17 =	sadd.s32 s11, s8;
	s11 =	sshrl.u32 s4, $0x2  }
0x21d: {  	s23 =	sshrl.u32 s17, $0x3;
	v4 =	vmov s11  }
0x21e: {  	s4 =	smul.u32 $0x6000, s23;
	_ =	sdelay $0x1  }
0x21f: {  	s4 =	sshra.s32 s4, $0x2  }
0x220: {  	s4 =	sadd.s32 $0x50C0, s4  }
0x221: {  	v5 =	vld.idx.msk [tilespmem:v4+s4+$0x30 ss:$0x1], $0xffff  }
0x222: {  	s24 =	sshrl.u32 s8, $0x3;
	v6 =	vld.idx.msk [tilespmem:v4+s4+$0xFFFFFFD0 ss:$0x1], $0xffff  }
0x223: {  	s17 =	smul.u32 $0x6000, s24;
	v7 =	vld.idx.msk [tilespmem:v4+s4+$0xFFFFFFE0 ss:$0x1], $0xffff  }
0x224: {  	v8 =	vld.idx.msk [tilespmem:v4+s4+$0xFFFFFFF0 ss:$0x1], $0xffff  }
0x225: {  	s17 =	sshra.s32 s17, $0x2;
	v9 =	vld.idx.msk [tilespmem:v4+s4+$0x0 ss:$0x1], $0xffff  }
0x226: {  	s17 =	sadd.s32 $0xE080, s17;
	v10 =	vld.idx.msk [tilespmem:v4+s4+$0x10 ss:$0x1], $0xffff  }
0x227: {  	s23 =	sadd.s32 s11, s17;
	v11 =	vld.idx.msk [tilespmem:v4+s4+$0xFFFFFFC0 ss:$0x1], $0xffff  }
0x228: {  	[tilespmem:s23+$0x70] =	vst.add.f32.msk $0xffff, v5  }
0x229: {  	v5 =	vld.idx.msk [tilespmem:v4+s4+$0x20 ss:$0x1], $0xffff  }
0x22a: {  	[tilespmem:s23+$0x10] =	vst.add.f32.msk $0xffff, v6  }
0x22b: {  	[tilespmem:s23+$0x20] =	vst.add.f32.msk $0xffff, v7  }
0x22c: {  	[tilespmem:s23+$0x30] =	vst.add.f32.msk $0xffff, v8  }
0x22d: {  	[tilespmem:s23+$0x40] =	vst.add.f32.msk $0xffff, v9  }
0x22e: {  	[tilespmem:s23+$0x50] =	vst.add.f32.msk $0xffff, v10  }
0x22f: {  	[tilespmem:s23+$0x0] =	vst.add.f32.msk $0xffff, v11  }
0x230: {  	s22 =	simm.s32 $0x0;
	[tilespmem:s23+$0x60] =	vst.add.f32.msk $0xffff, v5;
	s23 =	sadd.s32 $0x400, s4  }
.LBB2_31:
0x231: {  	v5 =	vld.idx.msk [tilespmem:v4+s23+$0x30 ss:$0x1], $0xffff;
	s22 =	sadd.s32 $0x80, s22  }
0x232: {  	v6 =	vld.idx.msk [tilespmem:v4+s23+$0xFFFFFFD0 ss:$0x1], $0xffff;
	p0 =	slt.u32 s22, $0x280  }
0x233: {  	v7 =	vld.idx.msk [tilespmem:v4+s23+$0xFFFFFFE0 ss:$0x1], $0xffff  }
0x234: {  	v8 =	vld.idx.msk [tilespmem:v4+s23+$0xFFFFFFF0 ss:$0x1], $0xffff  }
0x235: {  	s17 =	sadd.s32 $0x400, s17;
	v9 =	vld.idx.msk [tilespmem:v4+s23+$0x0 ss:$0x1], $0xffff  }
0x236: {  	s4 =	sadd.s32 s11, s17;
	v10 =	vld.idx.msk [tilespmem:v4+s23+$0x10 ss:$0x1], $0xffff  }
0x237: {  	[tilespmem:s4+$0x70] =	vst.add.f32.msk $0xffff, v5  }
0x238: {  	v5 =	vld.idx.msk [tilespmem:v4+s23+$0x20 ss:$0x1], $0xffff  }
0x239: {  	v11 =	vld.idx.msk [tilespmem:v4+s23+$0xFFFFFFC0 ss:$0x1], $0xffff  }
0x23a: {  	[tilespmem:s4+$0x10] =	vst.add.f32.msk $0xffff, v6  }
0x23b: {  	[tilespmem:s4+$0x20] =	vst.add.f32.msk $0xffff, v7  }
.Ltmp14:
0x23c: {  	[tilespmem:s4+$0x30] =	vst.add.f32.msk $0xffff, v8;
	(pc) =	sbr.rel @p0 .LBB2_31-.Ltmp14, $4  }
0x23d: {  	[tilespmem:s4+$0x40] =	vst.add.f32.msk $0xffff, v9  }
0x23e: {  	[tilespmem:s4+$0x50] =	vst.add.f32.msk $0xffff, v10  }
0x23f: {  	[tilespmem:s4+$0x0] =	vst.add.f32.msk $0xffff, v11  }
0x240: {  	s23 =	sadd.s32 $0x400, s23;
	[tilespmem:s4+$0x60] =	vst.add.f32.msk $0xffff, v5  }
0x241: {  	s8 =	sadd.s32 $0x1, s8  }
0x242: {  	p0 =	sne.s32 s8, $0x10  }
.Ltmp15:
0x243: {  	_ = 	snop;
	(pc) =	sbr.rel @p0 .LBB2_30-.Ltmp15, $2  }
0x244: {  	_ =	sdelay $0x2  }
0x245: {  	s14 =	sadd.s32 $0x1, s14  }
0x246: {  	s2 =	smul.u32 $0x60000, s2;
	_ =	sdelay $0x1  }
0x247: {  	s2 =	sor.u32 s5, s2  }
0x248: {  	s2 =	sshrl.u32 s2, $0x3  }
0x249: {  	s4 =	sadd.s32 s3, s2;
	s2 =	simm.s32 $0x0  }
0x24a: {  	[hbm4b:s4+s2] =	stream.linear.scatter [tilespmem:s21], [sflag:$0x5], $0x3000, $0x38;
	[tilespmem:$0x1A080] =	vst v63  }
0x24b: {  	_ =	swait.ge [sflag:s30], $0x3000  }
0x24c: {  	[sflag:s30] =	ssyncset.done $0x0  }
0x24d: {  	[sflag:s30] =	ssyncadd.s32 $0xFFFFD000  }
0x24e: {  	v3 =	vld [tilespmem:s13+$0x70];
	_ =	sdelay $0x4  }
0x24f: {  	v4 =	vshrl.u32 v3, $0x3  }
0x250: {  	v4 =	vmul.u32 $0x30, v4  }
0x251: {  	v3 =	vand.u32 $0x7, v3  }
0x252: {  	v3 =	vor.u32 v3, v4  }
0x253: {  	v4 =	vperm.xlane v3, v0;
	_ =	sdelay $0x1  }
0x254: {  	v4 =	vadd.s32 v1, v4;
	_ =	sdelay $0x3  }
0x255: {  	v3 =	vperm.xlane v3, v2  }
0x256: {  	[tilespmem:s16], [sflag:$0x4] =	stream.indirect_vreg.gather [hbm4b:s1+s2], $0x80, v4, vm0, $0xb8;
	[tilespmem:$0x1A080] =	vst v63  }
0x257: {  	s13 =	simm.s32 $0x17880;
	v3 =	vadd.s32 v1, v3  }
0x258: {  	[tilespmem:s13], [sflag:$0x4] =	stream.indirect_vreg.gather [hbm4b:s10+s2], $0x80, v4, vm0, $0xb8;
	[tilespmem:$0x1A080] =	vst v63  }
0x259: {  	s14 =	simm.s32 $0x18080  }
0x25a: {  	[tilespmem:s14], [sflag:$0x4] =	stream.indirect_vreg.gather [hbm4b:s12+s2], $0x80, v4, vm0, $0xb8;
	[tilespmem:$0x1A080] =	vst v63  }
0x25b: {  	s17 =	simm.s32 $0x18880  }
0x25c: {  	[tilespmem:s17], [sflag:$0x4] =	stream.indirect_vreg.gather [hbm4b:s1+s2], $0x80, v3, vm0, $0xb8;
	[tilespmem:$0x1A080] =	vst v63  }
0x25d: {  	s22 =	simm.s32 $0x19080  }
0x25e: {  	[tilespmem:s22], [sflag:$0x4] =	stream.indirect_vreg.gather [hbm4b:s10+s2], $0x80, v3, vm0, $0xb8;
	[tilespmem:$0x1A080] =	vst v63  }
0x25f: {  	s23 =	simm.s32 $0x19880  }
0x260: {  	[tilespmem:s23], [sflag:$0x4] =	stream.indirect_vreg.gather [hbm4b:s12+s2], $0x80, v3, vm0, $0xb8;
	[tilespmem:$0x1A080] =	vst v63  }
0x261: {  	_ =	swait.ge [sflag:s25], $0x3000  }
0x262: {  	s24 =	sadd.s32 $0x400, s9;
	[sflag:s25] =	ssyncset.done $0x0  }
0x263: {  	s8 =	simm.s32 $0x0;
	v3 =	vmov s24;
	[sflag:s25] =	ssyncadd.s32 $0xFFFFD000  }
.LBB2_34:
0x264: {  	_ =	sdelay $0x3  }
0x265: {  	v4 =	vld.idx.msk [tilespmem:v3+s8+$0x0 ss:$0x1], $0xffff;
	_ =	sdelay $0x4  }
0x266: {  	(v2sf) =	vpush v4, $0x0;
	_ =	sdelay $0xe  }
0x267: {  	s4 =	sand.u32 $0x7, s2;
	s9 =	spop (v2sf)  }
0x268: {  	s4 =	sshll.u32 s4, $0x9;
	s9 =	sshll.u32 s9, $0x4  }
0x269: {  	s11 =	sadd.s32 s9, s8;
	s9 =	sshrl.u32 s4, $0x2  }
0x26a: {  	s23 =	sshrl.u32 s11, $0x3;
	v4 =	vmov s9  }
0x26b: {  	s4 =	smul.u32 $0x6000, s23;
	_ =	sdelay $0x1  }
0x26c: {  	s4 =	sshra.s32 s4, $0x2  }
0x26d: {  	s4 =	sadd.s32 $0x50C0, s4  }
0x26e: {  	v5 =	vld.idx.msk [tilespmem:v4+s4+$0x30 ss:$0x1], $0xffff  }
0x26f: {  	s24 =	sshrl.u32 s8, $0x3;
	v6 =	vld.idx.msk [tilespmem:v4+s4+$0xFFFFFFD0 ss:$0x1], $0xffff  }
0x270: {  	s11 =	smul.u32 $0x6000, s24;
	v7 =	vld.idx.msk [tilespmem:v4+s4+$0xFFFFFFE0 ss:$0x1], $0xffff  }
0x271: {  	v8 =	vld.idx.msk [tilespmem:v4+s4+$0xFFFFFFF0 ss:$0x1], $0xffff  }
0x272: {  	s11 =	sshra.s32 s11, $0x2;
	v9 =	vld.idx.msk [tilespmem:v4+s4+$0x0 ss:$0x1], $0xffff  }
0x273: {  	s11 =	sadd.s32 $0xE080, s11;
	v10 =	vld.idx.msk [tilespmem:v4+s4+$0x10 ss:$0x1], $0xffff  }
0x274: {  	s14 =	sadd.s32 s9, s11;
	v11 =	vld.idx.msk [tilespmem:v4+s4+$0xFFFFFFC0 ss:$0x1], $0xffff  }
0x275: {  	[tilespmem:s14+$0x3070] =	vst.add.f32.msk $0xffff, v5  }
0x276: {  	v5 =	vld.idx.msk [tilespmem:v4+s4+$0x20 ss:$0x1], $0xffff  }
0x277: {  	[tilespmem:s14+$0x3010] =	vst.add.f32.msk $0xffff, v6  }
0x278: {  	[tilespmem:s14+$0x3020] =	vst.add.f32.msk $0xffff, v7  }
0x279: {  	[tilespmem:s14+$0x3030] =	vst.add.f32.msk $0xffff, v8  }
0x27a: {  	[tilespmem:s14+$0x3040] =	vst.add.f32.msk $0xffff, v9  }
0x27b: {  	[tilespmem:s14+$0x3050] =	vst.add.f32.msk $0xffff, v10  }
0x27c: {  	[tilespmem:s14+$0x3000] =	vst.add.f32.msk $0xffff, v11  }
0x27d: {  	s13 =	simm.s32 $0x0;
	[tilespmem:s14+$0x3060] =	vst.add.f32.msk $0xffff, v5;
	s14 =	sadd.s32 $0x400, s4  }
.LBB2_35:
0x27e: {  	v5 =	vld.idx.msk [tilespmem:v4+s14+$0x30 ss:$0x1], $0xffff;
	s13 =	sadd.s32 $0x80, s13  }
0x27f: {  	v6 =	vld.idx.msk [tilespmem:v4+s14+$0xFFFFFFD0 ss:$0x1], $0xffff;
	p0 =	slt.u32 s13, $0x280  }
0x280: {  	v7 =	vld.idx.msk [tilespmem:v4+s14+$0xFFFFFFE0 ss:$0x1], $0xffff  }
0x281: {  	v8 =	vld.idx.msk [tilespmem:v4+s14+$0xFFFFFFF0 ss:$0x1], $0xffff  }
0x282: {  	s11 =	sadd.s32 $0x400, s11;
	v9 =	vld.idx.msk [tilespmem:v4+s14+$0x0 ss:$0x1], $0xffff  }
0x283: {  	s4 =	sadd.s32 s9, s11;
	v10 =	vld.idx.msk [tilespmem:v4+s14+$0x10 ss:$0x1], $0xffff  }
0x284: {  	[tilespmem:s4+$0x3070] =	vst.add.f32.msk $0xffff, v5  }
0x285: {  	v5 =	vld.idx.msk [tilespmem:v4+s14+$0x20 ss:$0x1], $0xffff  }
0x286: {  	v11 =	vld.idx.msk [tilespmem:v4+s14+$0xFFFFFFC0 ss:$0x1], $0xffff  }
0x287: {  	[tilespmem:s4+$0x3010] =	vst.add.f32.msk $0xffff, v6  }
0x288: {  	[tilespmem:s4+$0x3020] =	vst.add.f32.msk $0xffff, v7  }
.Ltmp16:
0x289: {  	[tilespmem:s4+$0x3030] =	vst.add.f32.msk $0xffff, v8;
	(pc) =	sbr.rel @p0 .LBB2_35-.Ltmp16, $4  }
0x28a: {  	[tilespmem:s4+$0x3040] =	vst.add.f32.msk $0xffff, v9  }
0x28b: {  	[tilespmem:s4+$0x3050] =	vst.add.f32.msk $0xffff, v10  }
0x28c: {  	[tilespmem:s4+$0x3000] =	vst.add.f32.msk $0xffff, v11  }
0x28d: {  	s14 =	sadd.s32 $0x400, s14;
	[tilespmem:s4+$0x3060] =	vst.add.f32.msk $0xffff, v5  }
0x28e: {  	s8 =	sadd.s32 $0x1, s8  }
0x28f: {  	p0 =	sne.s32 s8, $0x10  }
.Ltmp17:
0x290: {  	_ = 	snop;
	(pc) =	sbr.rel @p0 .LBB2_34-.Ltmp17, $2  }
0x291: {  	_ =	sdelay $0x2  }
0x292: {  	s2 =	sadd.s32 $0x1, s2  }
0x293: {  	s0 =	sadd.s32 $0x1, s0  }
0x294: {  	s2 =	smul.u32 $0x60000, s7;
	p0 =	sne.s32 s0, $0xF  }
.Ltmp18:
0x295: {  	_ = 	snop;
	(pc) =	sbr.rel @p0 .LBB2_21-.Ltmp18, $4  }
0x296: {  	s2 =	sadd.s32 s5, s2  }
0x297: {  	s2 =	sshrl.u32 s2, $0x3  }
0x298: {  	s13 =	simm.s32 $0x0;
	s2 =	sadd.s32 s3, s2  }
0x299: {  	[hbm4b:s2+s13] =	stream.linear.scatter [tilespmem:s28], [sflag:$0x6], $0x3000, $0x38;
	[tilespmem:$0x1A080] =	vst v63  }
0x29a: {  	_ =	swait.ge [sflag:s18], $0x3000  }
0x29b: {  	[sflag:s18] =	ssyncset.done $0x0  }
0x29c: {  	[sflag:s18] =	ssyncadd.s32 $0xFFFFD000  }
0x29d: {  	_ =	swait.ge [sflag:s26], $0x3000  }
0x29e: {  	[sflag:s26] =	ssyncset.done $0x0  }
0x29f: {  	s0 =	simm.s32 $0x0;
	s2 =	simm.s32 $0x0;
	[sflag:s26] =	ssyncadd.s32 $0xFFFFD000  }
.LBB2_39:
0x2a0: {  	v3 =	vld [tilespmem:s2+$0x7E0];
	_ =	sdelay $0x4  }
0x2a1: {  	(v2sf) =	vpush v3, $0x0;
	_ =	sdelay $0xe  }
0x2a2: {  	s4 =	sand.u32 $0x7, s0;
	s7 =	spop (v2sf)  }
0x2a3: {  	s4 =	sshll.u32 s4, $0x9;
	s7 =	sshll.u32 s7, $0x4  }
0x2a4: {  	s8 =	sadd.s32 s7, s2;
	s7 =	sshrl.u32 s4, $0x2  }
0x2a5: {  	s23 =	sshrl.u32 s8, $0x3;
	v3 =	vmov s7  }
0x2a6: {  	s4 =	smul.u32 $0x6000, s23;
	_ =	sdelay $0x1  }
0x2a7: {  	s4 =	sshra.s32 s4, $0x2  }
0x2a8: {  	s4 =	sadd.s32 $0x50C0, s4  }
0x2a9: {  	v4 =	vld.idx.msk [tilespmem:v3+s4+$0x30 ss:$0x1], $0xffff  }
0x2aa: {  	s24 =	sshrl.u32 s2, $0x3;
	v5 =	vld.idx.msk [tilespmem:v3+s4+$0xFFFFFFD0 ss:$0x1], $0xffff  }
0x2ab: {  	s8 =	smul.u32 $0x6000, s24;
	v6 =	vld.idx.msk [tilespmem:v3+s4+$0xFFFFFFE0 ss:$0x1], $0xffff  }
0x2ac: {  	v7 =	vld.idx.msk [tilespmem:v3+s4+$0xFFFFFFF0 ss:$0x1], $0xffff  }
0x2ad: {  	s8 =	sshra.s32 s8, $0x2;
	v8 =	vld.idx.msk [tilespmem:v3+s4+$0x0 ss:$0x1], $0xffff  }
0x2ae: {  	s8 =	sadd.s32 $0xE080, s8;
	v9 =	vld.idx.msk [tilespmem:v3+s4+$0x10 ss:$0x1], $0xffff  }
0x2af: {  	s11 =	sadd.s32 s7, s8;
	v10 =	vld.idx.msk [tilespmem:v3+s4+$0xFFFFFFC0 ss:$0x1], $0xffff  }
0x2b0: {  	[tilespmem:s11+$0x6070] =	vst.add.f32.msk $0xffff, v4  }
0x2b1: {  	v4 =	vld.idx.msk [tilespmem:v3+s4+$0x20 ss:$0x1], $0xffff  }
0x2b2: {  	[tilespmem:s11+$0x6010] =	vst.add.f32.msk $0xffff, v5  }
0x2b3: {  	[tilespmem:s11+$0x6020] =	vst.add.f32.msk $0xffff, v6  }
0x2b4: {  	[tilespmem:s11+$0x6030] =	vst.add.f32.msk $0xffff, v7  }
0x2b5: {  	[tilespmem:s11+$0x6040] =	vst.add.f32.msk $0xffff, v8  }
0x2b6: {  	[tilespmem:s11+$0x6050] =	vst.add.f32.msk $0xffff, v9  }
0x2b7: {  	[tilespmem:s11+$0x6000] =	vst.add.f32.msk $0xffff, v10  }
0x2b8: {  	s9 =	simm.s32 $0x0;
	[tilespmem:s11+$0x6060] =	vst.add.f32.msk $0xffff, v4;
	s11 =	sadd.s32 $0x400, s4  }
.LBB2_40:
0x2b9: {  	v4 =	vld.idx.msk [tilespmem:v3+s11+$0x30 ss:$0x1], $0xffff;
	s9 =	sadd.s32 $0x80, s9  }
0x2ba: {  	v5 =	vld.idx.msk [tilespmem:v3+s11+$0xFFFFFFD0 ss:$0x1], $0xffff;
	p0 =	slt.u32 s9, $0x280  }
0x2bb: {  	v6 =	vld.idx.msk [tilespmem:v3+s11+$0xFFFFFFE0 ss:$0x1], $0xffff  }
0x2bc: {  	v7 =	vld.idx.msk [tilespmem:v3+s11+$0xFFFFFFF0 ss:$0x1], $0xffff  }
0x2bd: {  	s8 =	sadd.s32 $0x400, s8;
	v8 =	vld.idx.msk [tilespmem:v3+s11+$0x0 ss:$0x1], $0xffff  }
0x2be: {  	s4 =	sadd.s32 s7, s8;
	v9 =	vld.idx.msk [tilespmem:v3+s11+$0x10 ss:$0x1], $0xffff  }
0x2bf: {  	[tilespmem:s4+$0x6070] =	vst.add.f32.msk $0xffff, v4  }
0x2c0: {  	v4 =	vld.idx.msk [tilespmem:v3+s11+$0x20 ss:$0x1], $0xffff  }
0x2c1: {  	v10 =	vld.idx.msk [tilespmem:v3+s11+$0xFFFFFFC0 ss:$0x1], $0xffff  }
0x2c2: {  	[tilespmem:s4+$0x6010] =	vst.add.f32.msk $0xffff, v5  }
0x2c3: {  	[tilespmem:s4+$0x6020] =	vst.add.f32.msk $0xffff, v6  }
.Ltmp19:
0x2c4: {  	[tilespmem:s4+$0x6030] =	vst.add.f32.msk $0xffff, v7;
	(pc) =	sbr.rel @p0 .LBB2_40-.Ltmp19, $4  }
0x2c5: {  	[tilespmem:s4+$0x6040] =	vst.add.f32.msk $0xffff, v8  }
0x2c6: {  	[tilespmem:s4+$0x6050] =	vst.add.f32.msk $0xffff, v9  }
0x2c7: {  	[tilespmem:s4+$0x6000] =	vst.add.f32.msk $0xffff, v10  }
0x2c8: {  	s11 =	sadd.s32 $0x400, s11;
	[tilespmem:s4+$0x6060] =	vst.add.f32.msk $0xffff, v4  }
0x2c9: {  	s2 =	sadd.s32 $0x1, s2  }
0x2ca: {  	p0 =	sne.s32 s2, $0x10  }
.Ltmp20:
0x2cb: {  	_ = 	snop;
	(pc) =	sbr.rel @p0 .LBB2_39-.Ltmp20, $2  }
0x2cc: {  	_ =	sdelay $0x2  }
0x2cd: {  	s0 =	sadd.s32 $0x1, s0  }
0x2ce: {  	s0 =	simm.s32 $0x0;
	s2 =	rddreg [dreg:$0xb]  }
0x2cf: {  	[hbm4b:s2+s0] =	stream.linear.scatter [tilespmem:s6], [sflag:$0x7], $0x3000, $0x38;
	[tilespmem:$0x1A080] =	vst v63  }
0x2d0: {  	_ =	swait.ge [sflag:s19], $0x3000  }
0x2d1: {  	[sflag:s19] =	ssyncset.done $0x0  }
0x2d2: {  	[sflag:s19] =	ssyncadd.s32 $0xFFFFD000  }
0x2d3: {  	_ =	swait.ge [sflag:s29], $0x3000  }
0x2d4: {  	[sflag:s29] =	ssyncset.done $0x0  }
0x2d5: {  	s2 =	simm.s32 $0x0;
	[sflag:s29] =	ssyncadd.s32 $0xFFFFD000  }
.LBB2_43:
0x2d6: {  	v3 =	vld [tilespmem:s2+$0x7F0];
	_ =	sdelay $0x4  }
0x2d7: {  	(v2sf) =	vpush v3, $0x0;
	_ =	sdelay $0xe  }
0x2d8: {  	s4 =	sand.u32 $0x7, s0;
	s7 =	spop (v2sf)  }
0x2d9: {  	s4 =	sshll.u32 s4, $0x9;
	s7 =	sshll.u32 s7, $0x4  }
0x2da: {  	s8 =	sadd.s32 s7, s2;
	s7 =	sshrl.u32 s4, $0x2  }
0x2db: {  	s23 =	sshrl.u32 s8, $0x3;
	v3 =	vmov s7  }
0x2dc: {  	s4 =	smul.u32 $0x6000, s23;
	_ =	sdelay $0x1  }
0x2dd: {  	s4 =	sshra.s32 s4, $0x2  }
0x2de: {  	s4 =	sadd.s32 $0x50C0, s4  }
0x2df: {  	v4 =	vld.idx.msk [tilespmem:v3+s4+$0x30 ss:$0x1], $0xffff  }
0x2e0: {  	s24 =	sshrl.u32 s2, $0x3;
	v5 =	vld.idx.msk [tilespmem:v3+s4+$0xFFFFFFD0 ss:$0x1], $0xffff  }
0x2e1: {  	s8 =	smul.u32 $0x6000, s24;
	v6 =	vld.idx.msk [tilespmem:v3+s4+$0xFFFFFFE0 ss:$0x1], $0xffff  }
0x2e2: {  	v7 =	vld.idx.msk [tilespmem:v3+s4+$0xFFFFFFF0 ss:$0x1], $0xffff  }
0x2e3: {  	s8 =	sshra.s32 s8, $0x2;
	v8 =	vld.idx.msk [tilespmem:v3+s4+$0x0 ss:$0x1], $0xffff  }
0x2e4: {  	s8 =	sadd.s32 $0xE080, s8;
	v9 =	vld.idx.msk [tilespmem:v3+s4+$0x10 ss:$0x1], $0xffff  }
0x2e5: {  	s11 =	sadd.s32 s7, s8;
	v10 =	vld.idx.msk [tilespmem:v3+s4+$0xFFFFFFC0 ss:$0x1], $0xffff  }
0x2e6: {  	[tilespmem:s11+$0x9070] =	vst.add.f32.msk $0xffff, v4  }
0x2e7: {  	v4 =	vld.idx.msk [tilespmem:v3+s4+$0x20 ss:$0x1], $0xffff  }
0x2e8: {  	[tilespmem:s11+$0x9010] =	vst.add.f32.msk $0xffff, v5  }
0x2e9: {  	[tilespmem:s11+$0x9020] =	vst.add.f32.msk $0xffff, v6  }
0x2ea: {  	[tilespmem:s11+$0x9030] =	vst.add.f32.msk $0xffff, v7  }
0x2eb: {  	[tilespmem:s11+$0x9040] =	vst.add.f32.msk $0xffff, v8  }
0x2ec: {  	[tilespmem:s11+$0x9050] =	vst.add.f32.msk $0xffff, v9  }
0x2ed: {  	[tilespmem:s11+$0x9000] =	vst.add.f32.msk $0xffff, v10  }
0x2ee: {  	s9 =	simm.s32 $0x0;
	[tilespmem:s11+$0x9060] =	vst.add.f32.msk $0xffff, v4;
	s11 =	sadd.s32 $0x400, s4  }
.LBB2_44:
0x2ef: {  	v4 =	vld.idx.msk [tilespmem:v3+s11+$0x30 ss:$0x1], $0xffff;
	s9 =	sadd.s32 $0x80, s9  }
0x2f0: {  	v5 =	vld.idx.msk [tilespmem:v3+s11+$0xFFFFFFD0 ss:$0x1], $0xffff;
	p0 =	slt.u32 s9, $0x280  }
0x2f1: {  	v6 =	vld.idx.msk [tilespmem:v3+s11+$0xFFFFFFE0 ss:$0x1], $0xffff  }
0x2f2: {  	v7 =	vld.idx.msk [tilespmem:v3+s11+$0xFFFFFFF0 ss:$0x1], $0xffff  }
0x2f3: {  	s8 =	sadd.s32 $0x400, s8;
	v8 =	vld.idx.msk [tilespmem:v3+s11+$0x0 ss:$0x1], $0xffff  }
0x2f4: {  	s4 =	sadd.s32 s7, s8;
	v9 =	vld.idx.msk [tilespmem:v3+s11+$0x10 ss:$0x1], $0xffff  }
0x2f5: {  	[tilespmem:s4+$0x9070] =	vst.add.f32.msk $0xffff, v4  }
0x2f6: {  	v4 =	vld.idx.msk [tilespmem:v3+s11+$0x20 ss:$0x1], $0xffff  }
0x2f7: {  	v10 =	vld.idx.msk [tilespmem:v3+s11+$0xFFFFFFC0 ss:$0x1], $0xffff  }
0x2f8: {  	[tilespmem:s4+$0x9010] =	vst.add.f32.msk $0xffff, v5  }
0x2f9: {  	[tilespmem:s4+$0x9020] =	vst.add.f32.msk $0xffff, v6  }
.Ltmp21:
0x2fa: {  	[tilespmem:s4+$0x9030] =	vst.add.f32.msk $0xffff, v7;
	(pc) =	sbr.rel @p0 .LBB2_44-.Ltmp21, $4  }
0x2fb: {  	[tilespmem:s4+$0x9040] =	vst.add.f32.msk $0xffff, v8  }
0x2fc: {  	[tilespmem:s4+$0x9050] =	vst.add.f32.msk $0xffff, v9  }
0x2fd: {  	[tilespmem:s4+$0x9000] =	vst.add.f32.msk $0xffff, v10  }
0x2fe: {  	s11 =	sadd.s32 $0x400, s11;
	[tilespmem:s4+$0x9060] =	vst.add.f32.msk $0xffff, v4  }
0x2ff: {  	s2 =	sadd.s32 $0x1, s2  }
0x300: {  	p0 =	sne.s32 s2, $0x10  }
.Ltmp22:
0x301: {  	_ = 	snop;
	(pc) =	sbr.rel @p0 .LBB2_43-.Ltmp22, $2  }
0x302: {  	_ =	sdelay $0x2  }
0x303: {  	s0 =	sadd.s32 $0x1, s0  }
0x304: {  	s0 =	rddreg [dreg:$0xc]  }
0x305: {  	[hbm4b:s0+s13] =	stream.linear.scatter [tilespmem:s16], [sflag:$0x8], $0x3000, $0x38;
	[tilespmem:$0x1A080] =	vst v63  }
0x306: {  	_ =	swait.ge [sflag:s20], $0x3000  }
0x307: {  	[sflag:s20] =	ssyncset.done $0x0  }
0x308: {  	[sflag:s20] =	ssyncadd.s32 $0xFFFFD000  }
0x309: {  	_ =	swait.ge [sflag:s30], $0x3000  }
0x30a: {  	s2 =	rddreg [dreg:$0xe]  }
0x30b: {  	s24 =	rddreg [dreg:$0xd];
	s2 =	sadd.s32 $0x1, s2  }
0x30c: {  	p0 =	sne.s32 s2, s24  }
.Ltmp23:
0x30d: {  	_ = 	snop;
	(pc) =	sbr.rel @p0 .LBB2_1-.Ltmp23, $3  }
0x30e: {  	_ =	sdelay $0x1  }
0x30f: {  	[sflag:s30] =	ssyncset.done $0x0  }
0x310: {  	[sflag:s30] =	ssyncadd.s32 $0xFFFFD000  }
0x311: {  	_ =	sfence.sel $0x180000  }
0x312: {  	[bflag:$0x0] =	sbarrier.arrive $0xFFFF  }
0x313: {  	_ =	strace $0x90000047  }
0x314: {  	s0 =	stileid.u32;
	[bflag:$0x2] =	sbarrier.arrive $0xFFFF  }
0x315: {  	p0 =	sne.s32 s0, $0x0;
	s0 =	rddreg [dreg:$0x4]  }
0x316: {  	s0 =	sadd.s32 @!p0 $0x100000, s0  }
0x317: {  	[sflag:s0] =	ssyncadd.tile.s32 @!p0 $0x1;
	_ =	shalt  }
.Lfunc_end2:
_tile_overlayer_lowered:
.L_overlay_start_2:
0x318: {  	(tag) =	ssettag $0x2  }
0x319: {  	s0 =	rddreg [dreg:$0x0];
	s2 =	stileid.u32  }
0x31a: {  	s1 =	rddreg [dreg:$0x1];
	p0 =	sne.s32 s2, $0x0  }
0x31b: {  	s3 =	rddreg [dreg:$0x2];
	[bflag:$0x3] =	sbarrier.arrive $0xFFFF;
	s2 =	simm.s32 @!p0 $0x1C09  }
0x31c: {  	[timem:s3], [sflag:s2] =	dma.local @!p0 [hbm:s0], s1  }
0x31d: {  	s0 =	simm.s32 @!p0 $0x9  }
0x31e: {  	_ =	swait.ge @!p0 [sflag:s0], s1  }
0x31f: {  	s1 =	ssub.s32 @!p0 $0x0, s1;
	[sflag:s0] =	ssyncset.done @!p0 $0x0  }
0x320: {  	[sflag:s0] =	ssyncadd.s32 @!p0 s1  }
0x321: {  	[bflag:$0x3] =	sbarrier.arrive $0xFFFF  }
0x322: {  	_ =	shalt  }

</sc_bundles>
